<compile_context>
chip_gen: v7x
topology: tpu7x:2x2x1
jax: 0.10.2.dev20260603
libtpu: 0.0.44.dev20260713+nightly
codegen_flags: <defaults>
</compile_context>

<pallas_src>
import functools

import jax
import jax.numpy as jnp
from jax import lax
from jax.experimental import pallas as pl
from jax.experimental.pallas import tpu as pltpu
from jax.experimental.pallas import tpu_sc as plsc

_N = 10000
_E = 320000
_D = 128
_DE = 16

_H = 1
_EH = _E // _H

_BE = 12800
_NBE = _EH // _BE


def _edge_gate_body(eat_ref, w2_ref, b_ref, s_ref):
    g = jax.lax.dot_general(eat_ref[...], w2_ref[...],
                            dimension_numbers=(((0,), (0,)), ((), ())),
                            preferred_element_type=jnp.float32)
    g = g + b_ref[...]
    s_ref[...] = g * jax.nn.sigmoid(g)


def _edge_gate(ea_t, W2, b2, half):
    return pl.pallas_call(
        _edge_gate_body,
        grid=(_NBE,),
        in_specs=[
            pl.BlockSpec((_DE, _BE), lambda j: (0, j + half * _NBE)),
            pl.BlockSpec((_DE, _D), lambda j: (0, 0)),
            pl.BlockSpec((1, _D), lambda j: (0, 0)),
        ],
        out_specs=pl.BlockSpec((_BE, _D), lambda j: (j, 0)),
        out_shape=jax.ShapeDtypeStruct((_EH, _D), jnp.float32),
    )(ea_t, W2, b2)


_NC = 2
_NS = 16
_CH = 128
_CHH = _EH // _CH
_NCHT = _CHH // (_NC * _NS)
_XTRA = _CHH - _NCHT * _NC * _NS
_RPAD = 10112
_RPT = _RPAD // _NS


_NB = 2
_NGRP = _NCHT // _NB


def _segsum_body(s_hbm, ei_hbm, out_hbm,
                 idx_v, rows_v, lsems, acc_sh):
    c = lax.axis_index("c")
    s = lax.axis_index("s")
    wid = c * _NS + s
    row0 = s * _RPT
    z16 = jnp.zeros((16,), jnp.float32)

    def zstep(r, carry):
        for k in range(_D // 16):
            rows_v[0, r, pl.ds(k * 16, 16)] = z16
        return carry

    lax.fori_loop(0, _CH, zstep, 0)
    for k in range(_RPT // _CH):
        pltpu.sync_copy(rows_v.at[0], acc_sh.at[pl.ds(row0 + k * _CH, _CH), :])
    _REM = _RPT - (_RPT // _CH) * _CH
    if _REM:
        pltpu.sync_copy(rows_v.at[0, pl.ds(0, _REM), :],
                        acc_sh.at[pl.ds(row0 + (_RPT // _CH) * _CH, _REM), :])
    plsc.subcore_barrier()

    cbase = wid * _NCHT

    def start(q, b):
        pltpu.async_copy(ei_hbm.at[0, pl.ds(pl.multiple_of(q * _CH, _CH), _CH)],
                         idx_v.at[b], lsems.at[b])
        pltpu.async_copy(s_hbm.at[pl.ds(pl.multiple_of(q * _CH, _CH), _CH), :],
                         rows_v.at[b], lsems.at[b])

    def finish(b):
        pltpu.make_async_copy(ei_hbm.at[0, pl.ds(0, _CH)], idx_v.at[b], lsems.at[b]).wait()
        pltpu.make_async_copy(s_hbm.at[pl.ds(0, _CH), :], rows_v.at[b], lsems.at[b]).wait()

    def scatter(b):
        pltpu.sync_copy(rows_v.at[b], acc_sh.at[idx_v.at[b]], add=True)

    start(cbase, 0)
    start(cbase + 1, 1)

    def ring(g, carry):
        for b in range(_NB):
            finish(b)
            scatter(b)

            @pl.when(g * _NB + b + 2 <= _NCHT - 1)
            def _():
                start(cbase + g * _NB + b + 2, b)
        return carry

    lax.fori_loop(0, _NGRP, ring, 0)

    @pl.when(wid < _XTRA)
    def _():
        q = _NCHT * _NC * _NS + wid
        pltpu.sync_copy(ei_hbm.at[0, pl.ds(pl.multiple_of(q * _CH, _CH), _CH)],
                        idx_v.at[0])
        pltpu.sync_copy(s_hbm.at[pl.ds(pl.multiple_of(q * _CH, _CH), _CH), :],
                        rows_v.at[0])
        pltpu.sync_copy(rows_v.at[0], acc_sh.at[idx_v.at[0]], add=True)

    plsc.subcore_barrier()
    pltpu.sync_copy(acc_sh.at[pl.ds(row0, _RPT), :],
                    out_hbm.at[c, pl.ds(row0, _RPT), :])


def _segsum(S, edge_index):
    mesh = plsc.VectorSubcoreMesh(core_axis_name="c", subcore_axis_name="s")
    fn = pl.kernel(
        _segsum_body,
        out_type=jax.ShapeDtypeStruct((_NC, _RPAD, _D), jnp.float32),
        mesh=mesh,
        scratch_types=[
            pltpu.VMEM((_NB, _CH), jnp.int32),
            pltpu.VMEM((_NB, _CH, _D), jnp.float32),
            pltpu.SemaphoreType.DMA((_NB,)),
            pltpu.VMEM_SHARED((_RPAD, _D), jnp.float32),
        ],
    )
    return fn(S, edge_index)


def _bn_body(x_ref, w1_ref, p_ref, gamma_ref, beta_ref, o_ref):
    t = jnp.dot(x_ref[...], w1_ref[...], preferred_element_type=jnp.float32)
    t = t * (p_ref[0, :_N, :] + p_ref[1, :_N, :])
    mean = jnp.mean(t, axis=0, keepdims=True)
    var = jnp.mean(t * t, axis=0, keepdims=True) - mean * mean
    rstd = lax.rsqrt(var + 1e-5)
    o_ref[...] = (t - mean) * rstd * gamma_ref[...] + beta_ref[...] + x_ref[...]


def _bn(x, W1, partials, gamma, beta):
    return pl.pallas_call(
        _bn_body,
        in_specs=[
            pl.BlockSpec((_N, _D), lambda: (0, 0)),
            pl.BlockSpec((_D, _D), lambda: (0, 0)),
            pl.BlockSpec((_NC, _RPAD, _D), lambda: (0, 0, 0)),
            pl.BlockSpec((1, _D), lambda: (0, 0)),
            pl.BlockSpec((1, _D), lambda: (0, 0)),
        ],
        out_specs=pl.BlockSpec((_N, _D), lambda: (0, 0)),
        out_shape=jax.ShapeDtypeStruct((_N, _D), jnp.float32),
    )(x, W1, partials, gamma.reshape(1, _D), beta.reshape(1, _D))


def kernel(x, edge_index, edge_attr, W1, W2, b, gamma, beta):
    ea_t = edge_attr.T
    S = _edge_gate(ea_t, W2, b.reshape(1, _D), 0)
    pa = _segsum(S, edge_index)
    return _bn(x, W1, pa, gamma, beta)

# --- scband reference (transcript-rebuilt; emitter-appended) ---
"""Pipeline reference for scband-node-processor-78915729097029 (READ-ONLY COPY).

The authoritative reference and input builder live on the scoring server;
editing this copy changes nothing except your own understanding.
"""

import jax, jax.numpy as jnp
import numpy as np

N = 10000
E = 320000
D = 128
DE = 16


def setup_inputs(seed: int = 0) -> dict:
    key = jax.random.key(seed)
    ks = jax.random.split(key, 8)
    x = jax.random.normal(ks[0], (N, D), dtype=jnp.float32)
    edge_index = jax.random.randint(ks[1], (2, E), 0, N, dtype=jnp.int32)
    edge_attr = jax.random.normal(ks[2], (E, DE), dtype=jnp.float32)
    # learned params of the scalar-irrep tensor product (O3TensorProductSwishGate
    # with all-scalar irreps reduces to a gated bilinear product)
    W1 = jax.random.normal(ks[3], (D, D), dtype=jnp.float32) / np.sqrt(D)
    W2 = jax.random.normal(ks[4], (DE, D), dtype=jnp.float32) / np.sqrt(DE)
    b = jnp.zeros((D,), dtype=jnp.float32)
    # BatchNorm affine params
    gamma = jnp.ones((D,), dtype=jnp.float32)
    beta = jnp.zeros((D,), dtype=jnp.float32)
    return {"x": x, "edge_index": edge_index, "edge_attr": edge_attr,
            "W1": W1, "W2": W2, "b": b, "gamma": gamma, "beta": beta}


def reference(x, edge_index, edge_attr, W1, W2, b, gamma, beta):
    i = edge_index[0]
    # tp1: tensor product of gathered source-node features with edge attrs,
    # followed by a swish gate (scalar-irrep specialization)
    m = jnp.take(x, i, axis=0) @ W1            # gather + dense mix  [E, D]
    g = edge_attr @ W2 + b                     # edge pathway        [E, D]
    out_e = m * jax.nn.silu(g)                 # swish gate          [E, D]
    # scatter-add messages to destination index i
    agg = jax.ops.segment_sum(out_e, i, num_segments=x.shape[0])  # [N, D]
    # BatchNorm over node (batch) dimension
    mean = jnp.mean(agg, axis=0)
    var = jnp.var(agg, axis=0)
    out = (agg - mean) / jnp.sqrt(var + 1e-5) * gamma + beta
    # residual
    return out + x

if __name__ == "__main__":
    import jax
    _d = setup_inputs()
    print(jax.jit(kernel)(*tuple(_d.values())))

</pallas_src>

<mosaic_0001>
#map = affine_map<(d0, d1) -> (0, 0)>
#map1 = affine_map<(d0, d1) -> (0, 0, 0)>
module attributes {stable_mosaic.version = 14 : i64} {
  func.func @_segsum_body(%arg0: i32, %arg1: i32, %arg2: memref<320000x128xf32, #tpu.memory_space<hbm>>, %arg3: memref<2x320000xi32, #tpu.memory_space<hbm>>, %arg4: memref<2x10112x128xf32, #tpu.memory_space<hbm>>, %arg5: memref<2x128xi32, #tpu.memory_space<vmem>>, %arg6: memref<2x128x128xf32, #tpu.memory_space<vmem>>, %arg7: memref<2x!tpu.dma_semaphore, #tpu.memory_space<semaphore_mem>>, %arg8: memref<10112x128xf32, #tpu.memory_space<vmem_shared>>) attributes {dimension_semantics = [#tpu.dimension_semantics<core_parallel>, #tpu.dimension_semantics<subcore_parallel>], iteration_bounds = array<i64: 2, 16>, scalar_prefetch = 0 : i64, scratch_operands = 4 : i64, tpu.core_type = #tpu.core_type<sc_vector_subcore>, window_params = [{transform_indices = #map}, {transform_indices = #map}, {transform_indices = #map1}]} {
    %mul3A = arith.constant 16 : i32
    %mul3A_0 = arith.muli %arg0, %mul3A : i32
    %add3A = arith.addi %mul3A_0, %arg1 : i32
    %mul3A_1 = arith.constant 632 : i32
    %mul3A_2 = arith.muli %arg1, %mul3A_1 : i32
    %broadcast_in_dim3A = arith.constant 0.000000e+00 : f32
    %broadcast_in_dim3A_3 = vector.broadcast %broadcast_in_dim3A : f32 to vector<16xf32>
    %scan3A = arith.constant 0 : i32
    %scan3A_4 = arith.constant 0 : i32
    %scan3A_5 = arith.constant 128 : i32
    %scan3A_6 = arith.addi %scan3A_4, %scan3A_5 : i32
    %scan3A_7 = arith.constant 1 : i32
    scf.for %scan3A_108 = %scan3A_4 to %scan3A_6 step %scan3A_7  : i32 {
      %swap3A = arith.constant 0 : i32
      %swap3A_109 = arith.index_cast %swap3A : i32 to index
      %swap3A_110 = arith.index_cast %scan3A_108 : i32 to index
      %swap3A_111 = arith.constant 0 : index
      %swap3A_112 = tpu.vector_load %arg6[%swap3A_109, %swap3A_110, %swap3A_111] {strides = array<i32>} : memref<2x128x128xf32, #tpu.memory_space<vmem>>, vector<1x1x16xf32>,
      %swap3A_113 = vector.shape_cast %swap3A_112 : vector<1x1x16xf32> to vector<16xf32>
      %swap3A_114 = vector.shape_cast %broadcast_in_dim3A_3 : vector<16xf32> to vector<1x1x16xf32>
      tpu.vector_store %arg6[%swap3A_109, %swap3A_110, %swap3A_111], %swap3A_114 {strides = array<i32>} : memref<2x128x128xf32, #tpu.memory_space<vmem>>, vector<1x1x16xf32>,
      %swap3A_115 = arith.constant 0 : i32
      %swap3A_116 = arith.index_cast %swap3A_115 : i32 to index
      %swap3A_117 = arith.index_cast %scan3A_108 : i32 to index
      %swap3A_118 = arith.constant 16 : index
      %swap3A_119 = tpu.vector_load %arg6[%swap3A_116, %swap3A_117, %swap3A_118] {strides = array<i32>} : memref<2x128x128xf32, #tpu.memory_space<vmem>>, vector<1x1x16xf32>,
      %swap3A_120 = vector.shape_cast %swap3A_119 : vector<1x1x16xf32> to vector<16xf32>
      %swap3A_121 = vector.shape_cast %broadcast_in_dim3A_3 : vector<16xf32> to vector<1x1x16xf32>
      tpu.vector_store %arg6[%swap3A_116, %swap3A_117, %swap3A_118], %swap3A_121 {strides = array<i32>} : memref<2x128x128xf32, #tpu.memory_space<vmem>>, vector<1x1x16xf32>,
      %swap3A_122 = arith.constant 0 : i32
      %swap3A_123 = arith.index_cast %swap3A_122 : i32 to index
      %swap3A_124 = arith.index_cast %scan3A_108 : i32 to index
      %swap3A_125 = arith.constant 32 : index
      %swap3A_126 = tpu.vector_load %arg6[%swap3A_123, %swap3A_124, %swap3A_125] {strides = array<i32>} : memref<2x128x128xf32, #tpu.memory_space<vmem>>, vector<1x1x16xf32>,
      %swap3A_127 = vector.shape_cast %swap3A_126 : vector<1x1x16xf32> to vector<16xf32>
      %swap3A_128 = vector.shape_cast %broadcast_in_dim3A_3 : vector<16xf32> to vector<1x1x16xf32>
      tpu.vector_store %arg6[%swap3A_123, %swap3A_124, %swap3A_125], %swap3A_128 {strides = array<i32>} : memref<2x128x128xf32, #tpu.memory_space<vmem>>, vector<1x1x16xf32>,
      %swap3A_129 = arith.constant 0 : i32
      %swap3A_130 = arith.index_cast %swap3A_129 : i32 to index
      %swap3A_131 = arith.index_cast %scan3A_108 : i32 to index
      %swap3A_132 = arith.constant 48 : index
      %swap3A_133 = tpu.vector_load %arg6[%swap3A_130, %swap3A_131, %swap3A_132] {strides = array<i32>} : memref<2x128x128xf32, #tpu.memory_space<vmem>>, vector<1x1x16xf32>,
      %swap3A_134 = vector.shape_cast %swap3A_133 : vector<1x1x16xf32> to vector<16xf32>
      %swap3A_135 = vector.shape_cast %broadcast_in_dim3A_3 : vector<16xf32> to vector<1x1x16xf32>
      tpu.vector_store %arg6[%swap3A_130, %swap3A_131, %swap3A_132], %swap3A_135 {strides = array<i32>} : memref<2x128x128xf32, #tpu.memory_space<vmem>>, vector<1x1x16xf32>,
      %swap3A_136 = arith.constant 0 : i32
      %swap3A_137 = arith.index_cast %swap3A_136 : i32 to index
      %swap3A_138 = arith.index_cast %scan3A_108 : i32 to index
      %swap3A_139 = arith.constant 64 : index
      %swap3A_140 = tpu.vector_load %arg6[%swap3A_137, %swap3A_138, %swap3A_139] {strides = array<i32>} : memref<2x128x128xf32, #tpu.memory_space<vmem>>, vector<1x1x16xf32>,
      %swap3A_141 = vector.shape_cast %swap3A_140 : vector<1x1x16xf32> to vector<16xf32>
      %swap3A_142 = vector.shape_cast %broadcast_in_dim3A_3 : vector<16xf32> to vector<1x1x16xf32>
      tpu.vector_store %arg6[%swap3A_137, %swap3A_138, %swap3A_139], %swap3A_142 {strides = array<i32>} : memref<2x128x128xf32, #tpu.memory_space<vmem>>, vector<1x1x16xf32>,
      %swap3A_143 = arith.constant 0 : i32
      %swap3A_144 = arith.index_cast %swap3A_143 : i32 to index
      %swap3A_145 = arith.index_cast %scan3A_108 : i32 to index
      %swap3A_146 = arith.constant 80 : index
      %swap3A_147 = tpu.vector_load %arg6[%swap3A_144, %swap3A_145, %swap3A_146] {strides = array<i32>} : memref<2x128x128xf32, #tpu.memory_space<vmem>>, vector<1x1x16xf32>,
      %swap3A_148 = vector.shape_cast %swap3A_147 : vector<1x1x16xf32> to vector<16xf32>
      %swap3A_149 = vector.shape_cast %broadcast_in_dim3A_3 : vector<16xf32> to vector<1x1x16xf32>
      tpu.vector_store %arg6[%swap3A_144, %swap3A_145, %swap3A_146], %swap3A_149 {strides = array<i32>} : memref<2x128x128xf32, #tpu.memory_space<vmem>>, vector<1x1x16xf32>,
      %swap3A_150 = arith.constant 0 : i32
      %swap3A_151 = arith.index_cast %swap3A_150 : i32 to index
      %swap3A_152 = arith.index_cast %scan3A_108 : i32 to index
      %swap3A_153 = arith.constant 96 : index
      %swap3A_154 = tpu.vector_load %arg6[%swap3A_151, %swap3A_152, %swap3A_153] {strides = array<i32>} : memref<2x128x128xf32, #tpu.memory_space<vmem>>, vector<1x1x16xf32>,
      %swap3A_155 = vector.shape_cast %swap3A_154 : vector<1x1x16xf32> to vector<16xf32>
      %swap3A_156 = vector.shape_cast %broadcast_in_dim3A_3 : vector<16xf32> to vector<1x1x16xf32>
      tpu.vector_store %arg6[%swap3A_151, %swap3A_152, %swap3A_153], %swap3A_156 {strides = array<i32>} : memref<2x128x128xf32, #tpu.memory_space<vmem>>, vector<1x1x16xf32>,
      %swap3A_157 = arith.constant 0 : i32
      %swap3A_158 = arith.index_cast %swap3A_157 : i32 to index
      %swap3A_159 = arith.index_cast %scan3A_108 : i32 to index
      %swap3A_160 = arith.constant 112 : index
      %swap3A_161 = tpu.vector_load %arg6[%swap3A_158, %swap3A_159, %swap3A_160] {strides = array<i32>} : memref<2x128x128xf32, #tpu.memory_space<vmem>>, vector<1x1x16xf32>,
      %swap3A_162 = vector.shape_cast %swap3A_161 : vector<1x1x16xf32> to vector<16xf32>
      %swap3A_163 = vector.shape_cast %broadcast_in_dim3A_3 : vector<16xf32> to vector<1x1x16xf32>
      tpu.vector_store %arg6[%swap3A_158, %swap3A_159, %swap3A_160], %swap3A_163 {strides = array<i32>} : memref<2x128x128xf32, #tpu.memory_space<vmem>>, vector<1x1x16xf32>,
    }
    %scan3A_8 = arith.constant 128 : i32
    %add3A_9 = arith.constant 0 : i32
    %add3A_10 = arith.addi %mul3A_2, %add3A_9 : i32
    %run_scoped3A = arith.constant 0 : i32
    "tpu.region"() ({
      %run_scoped3A_108 = tpu.sem_alloc : memref<!tpu.dma_semaphore, #tpu.memory_space<semaphore_mem>>
      %dma_start3A_109 = arith.constant 0 : i32
      %dma_start3A_110 = arith.constant 0 : i32
      %dma_start3A_111 = tpu.memref_slice %arg6[%run_scoped3A, %dma_start3A_109, %dma_start3A_110] : memref<2x128x128xf32, #tpu.memory_space<vmem>> -> memref<1x128x128xf32, #tpu.memory_space<vmem>>
      %dma_start3A_112 = tpu.memref_squeeze %dma_start3A_111 : memref<1x128x128xf32, #tpu.memory_space<vmem>> -> memref<128x128xf32, #tpu.memory_space<vmem>>
      %dma_start3A_113 = arith.constant 0 : i32
      %dma_start3A_114 = tpu.memref_slice %arg8[%add3A_10, %dma_start3A_113] : memref<10112x128xf32, #tpu.memory_space<vmem_shared>> -> memref<128x128xf32, #tpu.memory_space<vmem_shared>>
      %dma_start3A_115 = arith.constant 0 : i32
      %dma_start3A_116 = tpu.memref_slice %arg8[%add3A_10, %dma_start3A_115] : memref<10112x128xf32, #tpu.memory_space<vmem_shared>> -> memref<128x128xf32, #tpu.memory_space<vmem_shared>>
      %dma_start3A_117 = arith.constant 0 : i32
      %dma_start3A_118 = arith.constant 0 : i32
      %dma_start3A_119 = tpu.memref_slice %arg6[%run_scoped3A, %dma_start3A_117, %dma_start3A_118] : memref<2x128x128xf32, #tpu.memory_space<vmem>> -> memref<1x128x128xf32, #tpu.memory_space<vmem>>
      %dma_start3A_120 = tpu.memref_squeeze %dma_start3A_119 : memref<1x128x128xf32, #tpu.memory_space<vmem>> -> memref<128x128xf32, #tpu.memory_space<vmem>>
      tpu.enqueue_dma source(%dma_start3A_120 : memref<128x128xf32, #tpu.memory_space<vmem>>) target(%dma_start3A_116 : memref<128x128xf32, #tpu.memory_space<vmem_shared>>) target_semaphore(%run_scoped3A_108 : memref<!tpu.dma_semaphore, #tpu.memory_space<semaphore_mem>>)
      %dma_wait3A = arith.constant 0 : i32
      %dma_wait3A_121 = arith.constant 0 : i32
      %dma_wait3A_122 = tpu.memref_slice %arg6[%run_scoped3A, %dma_wait3A, %dma_wait3A_121] : memref<2x128x128xf32, #tpu.memory_space<vmem>> -> memref<1x128x128xf32, #tpu.memory_space<vmem>>
      %dma_wait3A_123 = tpu.memref_squeeze %dma_wait3A_122 : memref<1x128x128xf32, #tpu.memory_space<vmem>> -> memref<128x128xf32, #tpu.memory_space<vmem>>
      %dma_wait3A_124 = arith.constant 0 : i32
      %dma_wait3A_125 = tpu.memref_slice %arg8[%add3A_10, %dma_wait3A_124] : memref<10112x128xf32, #tpu.memory_space<vmem_shared>> -> memref<128x128xf32, #tpu.memory_space<vmem_shared>>
      %dma_wait3A_126 = arith.constant 0 : i32
      %dma_wait3A_127 = tpu.memref_slice %arg8[%add3A_10, %dma_wait3A_126] : memref<10112x128xf32, #tpu.memory_space<vmem_shared>> -> memref<128x128xf32, #tpu.memory_space<vmem_shared>>
      %dma_wait3A_128 = arith.constant 0 : i32
      %dma_wait3A_129 = arith.constant 0 : i32
      %dma_wait3A_130 = tpu.memref_slice %arg6[%run_scoped3A, %dma_wait3A_128, %dma_wait3A_129] : memref<2x128x128xf32, #tpu.memory_space<vmem>> -> memref<1x128x128xf32, #tpu.memory_space<vmem>>
      %dma_wait3A_131 = tpu.memref_squeeze %dma_wait3A_130 : memref<1x128x128xf32, #tpu.memory_space<vmem>> -> memref<128x128xf32, #tpu.memory_space<vmem>>
      tpu.wait_dma2 semaphore(%run_scoped3A_108 : memref<!tpu.dma_semaphore, #tpu.memory_space<semaphore_mem>>) src(%dma_wait3A_131 : memref<128x128xf32, #tpu.memory_space<vmem>>) dst(%dma_wait3A_127 : memref<128x128xf32, #tpu.memory_space<vmem_shared>>)
      tpu.yield
    }) : () -> ()
    %add3A_11 = arith.constant 128 : i32
    %add3A_12 = arith.addi %mul3A_2, %add3A_11 : i32
    %run_scoped3A_13 = arith.constant 0 : i32
    "tpu.region"() ({
      %run_scoped3A_108 = tpu.sem_alloc : memref<!tpu.dma_semaphore, #tpu.memory_space<semaphore_mem>>
      %dma_start3A_109 = arith.constant 0 : i32
      %dma_start3A_110 = arith.constant 0 : i32
      %dma_start3A_111 = tpu.memref_slice %arg6[%run_scoped3A_13, %dma_start3A_109, %dma_start3A_110] : memref<2x128x128xf32, #tpu.memory_space<vmem>> -> memref<1x128x128xf32, #tpu.memory_space<vmem>>
      %dma_start3A_112 = tpu.memref_squeeze %dma_start3A_111 : memref<1x128x128xf32, #tpu.memory_space<vmem>> -> memref<128x128xf32, #tpu.memory_space<vmem>>
      %dma_start3A_113 = arith.constant 0 : i32
      %dma_start3A_114 = tpu.memref_slice %arg8[%add3A_12, %dma_start3A_113] : memref<10112x128xf32, #tpu.memory_space<vmem_shared>> -> memref<128x128xf32, #tpu.memory_space<vmem_shared>>
      %dma_start3A_115 = arith.constant 0 : i32
      %dma_start3A_116 = tpu.memref_slice %arg8[%add3A_12, %dma_start3A_115] : memref<10112x128xf32, #tpu.memory_space<vmem_shared>> -> memref<128x128xf32, #tpu.memory_space<vmem_shared>>
      %dma_start3A_117 = arith.constant 0 : i32
      %dma_start3A_118 = arith.constant 0 : i32
      %dma_start3A_119 = tpu.memref_slice %arg6[%run_scoped3A_13, %dma_start3A_117, %dma_start3A_118] : memref<2x128x128xf32, #tpu.memory_space<vmem>> -> memref<1x128x128xf32, #tpu.memory_space<vmem>>
      %dma_start3A_120 = tpu.memref_squeeze %dma_start3A_119 : memref<1x128x128xf32, #tpu.memory_space<vmem>> -> memref<128x128xf32, #tpu.memory_space<vmem>>
      tpu.enqueue_dma source(%dma_start3A_120 : memref<128x128xf32, #tpu.memory_space<vmem>>) target(%dma_start3A_116 : memref<128x128xf32, #tpu.memory_space<vmem_shared>>) target_semaphore(%run_scoped3A_108 : memref<!tpu.dma_semaphore, #tpu.memory_space<semaphore_mem>>)
      %dma_wait3A = arith.constant 0 : i32
      %dma_wait3A_121 = arith.constant 0 : i32
      %dma_wait3A_122 = tpu.memref_slice %arg6[%run_scoped3A_13, %dma_wait3A, %dma_wait3A_121] : memref<2x128x128xf32, #tpu.memory_space<vmem>> -> memref<1x128x128xf32, #tpu.memory_space<vmem>>
      %dma_wait3A_123 = tpu.memref_squeeze %dma_wait3A_122 : memref<1x128x128xf32, #tpu.memory_space<vmem>> -> memref<128x128xf32, #tpu.memory_space<vmem>>
      %dma_wait3A_124 = arith.constant 0 : i32
      %dma_wait3A_125 = tpu.memref_slice %arg8[%add3A_12, %dma_wait3A_124] : memref<10112x128xf32, #tpu.memory_space<vmem_shared>> -> memref<128x128xf32, #tpu.memory_space<vmem_shared>>
      %dma_wait3A_126 = arith.constant 0 : i32
      %dma_wait3A_127 = tpu.memref_slice %arg8[%add3A_12, %dma_wait3A_126] : memref<10112x128xf32, #tpu.memory_space<vmem_shared>> -> memref<128x128xf32, #tpu.memory_space<vmem_shared>>
      %dma_wait3A_128 = arith.constant 0 : i32
      %dma_wait3A_129 = arith.constant 0 : i32
      %dma_wait3A_130 = tpu.memref_slice %arg6[%run_scoped3A_13, %dma_wait3A_128, %dma_wait3A_129] : memref<2x128x128xf32, #tpu.memory_space<vmem>> -> memref<1x128x128xf32, #tpu.memory_space<vmem>>
      %dma_wait3A_131 = tpu.memref_squeeze %dma_wait3A_130 : memref<1x128x128xf32, #tpu.memory_space<vmem>> -> memref<128x128xf32, #tpu.memory_space<vmem>>
      tpu.wait_dma2 semaphore(%run_scoped3A_108 : memref<!tpu.dma_semaphore, #tpu.memory_space<semaphore_mem>>) src(%dma_wait3A_131 : memref<128x128xf32, #tpu.memory_space<vmem>>) dst(%dma_wait3A_127 : memref<128x128xf32, #tpu.memory_space<vmem_shared>>)
      tpu.yield
    }) : () -> ()
    %add3A_14 = arith.constant 256 : i32
    %add3A_15 = arith.addi %mul3A_2, %add3A_14 : i32
    %run_scoped3A_16 = arith.constant 0 : i32
    "tpu.region"() ({
      %run_scoped3A_108 = tpu.sem_alloc : memref<!tpu.dma_semaphore, #tpu.memory_space<semaphore_mem>>
      %dma_start3A_109 = arith.constant 0 : i32
      %dma_start3A_110 = arith.constant 0 : i32
      %dma_start3A_111 = tpu.memref_slice %arg6[%run_scoped3A_16, %dma_start3A_109, %dma_start3A_110] : memref<2x128x128xf32, #tpu.memory_space<vmem>> -> memref<1x128x128xf32, #tpu.memory_space<vmem>>
      %dma_start3A_112 = tpu.memref_squeeze %dma_start3A_111 : memref<1x128x128xf32, #tpu.memory_space<vmem>> -> memref<128x128xf32, #tpu.memory_space<vmem>>
      %dma_start3A_113 = arith.constant 0 : i32
      %dma_start3A_114 = tpu.memref_slice %arg8[%add3A_15, %dma_start3A_113] : memref<10112x128xf32, #tpu.memory_space<vmem_shared>> -> memref<128x128xf32, #tpu.memory_space<vmem_shared>>
      %dma_start3A_115 = arith.constant 0 : i32
      %dma_start3A_116 = tpu.memref_slice %arg8[%add3A_15, %dma_start3A_115] : memref<10112x128xf32, #tpu.memory_space<vmem_shared>> -> memref<128x128xf32, #tpu.memory_space<vmem_shared>>
      %dma_start3A_117 = arith.constant 0 : i32
      %dma_start3A_118 = arith.constant 0 : i32
      %dma_start3A_119 = tpu.memref_slice %arg6[%run_scoped3A_16, %dma_start3A_117, %dma_start3A_118] : memref<2x128x128xf32, #tpu.memory_space<vmem>> -> memref<1x128x128xf32, #tpu.memory_space<vmem>>
      %dma_start3A_120 = tpu.memref_squeeze %dma_start3A_119 : memref<1x128x128xf32, #tpu.memory_space<vmem>> -> memref<128x128xf32, #tpu.memory_space<vmem>>
      tpu.enqueue_dma source(%dma_start3A_120 : memref<128x128xf32, #tpu.memory_space<vmem>>) target(%dma_start3A_116 : memref<128x128xf32, #tpu.memory_space<vmem_shared>>) target_semaphore(%run_scoped3A_108 : memref<!tpu.dma_semaphore, #tpu.memory_space<semaphore_mem>>)
      %dma_wait3A = arith.constant 0 : i32
      %dma_wait3A_121 = arith.constant 0 : i32
      %dma_wait3A_122 = tpu.memref_slice %arg6[%run_scoped3A_16, %dma_wait3A, %dma_wait3A_121] : memref<2x128x128xf32, #tpu.memory_space<vmem>> -> memref<1x128x128xf32, #tpu.memory_space<vmem>>
      %dma_wait3A_123 = tpu.memref_squeeze %dma_wait3A_122 : memref<1x128x128xf32, #tpu.memory_space<vmem>> -> memref<128x128xf32, #tpu.memory_space<vmem>>
      %dma_wait3A_124 = arith.constant 0 : i32
      %dma_wait3A_125 = tpu.memref_slice %arg8[%add3A_15, %dma_wait3A_124] : memref<10112x128xf32, #tpu.memory_space<vmem_shared>> -> memref<128x128xf32, #tpu.memory_space<vmem_shared>>
      %dma_wait3A_126 = arith.constant 0 : i32
      %dma_wait3A_127 = tpu.memref_slice %arg8[%add3A_15, %dma_wait3A_126] : memref<10112x128xf32, #tpu.memory_space<vmem_shared>> -> memref<128x128xf32, #tpu.memory_space<vmem_shared>>
      %dma_wait3A_128 = arith.constant 0 : i32
      %dma_wait3A_129 = arith.constant 0 : i32
      %dma_wait3A_130 = tpu.memref_slice %arg6[%run_scoped3A_16, %dma_wait3A_128, %dma_wait3A_129] : memref<2x128x128xf32, #tpu.memory_space<vmem>> -> memref<1x128x128xf32, #tpu.memory_space<vmem>>
      %dma_wait3A_131 = tpu.memref_squeeze %dma_wait3A_130 : memref<1x128x128xf32, #tpu.memory_space<vmem>> -> memref<128x128xf32, #tpu.memory_space<vmem>>
      tpu.wait_dma2 semaphore(%run_scoped3A_108 : memref<!tpu.dma_semaphore, #tpu.memory_space<semaphore_mem>>) src(%dma_wait3A_131 : memref<128x128xf32, #tpu.memory_space<vmem>>) dst(%dma_wait3A_127 : memref<128x128xf32, #tpu.memory_space<vmem_shared>>)
      tpu.yield
    }) : () -> ()
    %add3A_17 = arith.constant 384 : i32
    %add3A_18 = arith.addi %mul3A_2, %add3A_17 : i32
    %run_scoped3A_19 = arith.constant 0 : i32
    "tpu.region"() ({
      %run_scoped3A_108 = tpu.sem_alloc : memref<!tpu.dma_semaphore, #tpu.memory_space<semaphore_mem>>
      %dma_start3A_109 = arith.constant 0 : i32
      %dma_start3A_110 = arith.constant 0 : i32
      %dma_start3A_111 = tpu.memref_slice %arg6[%run_scoped3A_19, %dma_start3A_109, %dma_start3A_110] : memref<2x128x128xf32, #tpu.memory_space<vmem>> -> memref<1x128x128xf32, #tpu.memory_space<vmem>>
      %dma_start3A_112 = tpu.memref_squeeze %dma_start3A_111 : memref<1x128x128xf32, #tpu.memory_space<vmem>> -> memref<128x128xf32, #tpu.memory_space<vmem>>
      %dma_start3A_113 = arith.constant 0 : i32
      %dma_start3A_114 = tpu.memref_slice %arg8[%add3A_18, %dma_start3A_113] : memref<10112x128xf32, #tpu.memory_space<vmem_shared>> -> memref<128x128xf32, #tpu.memory_space<vmem_shared>>
      %dma_start3A_115 = arith.constant 0 : i32
      %dma_start3A_116 = tpu.memref_slice %arg8[%add3A_18, %dma_start3A_115] : memref<10112x128xf32, #tpu.memory_space<vmem_shared>> -> memref<128x128xf32, #tpu.memory_space<vmem_shared>>
      %dma_start3A_117 = arith.constant 0 : i32
      %dma_start3A_118 = arith.constant 0 : i32
      %dma_start3A_119 = tpu.memref_slice %arg6[%run_scoped3A_19, %dma_start3A_117, %dma_start3A_118] : memref<2x128x128xf32, #tpu.memory_space<vmem>> -> memref<1x128x128xf32, #tpu.memory_space<vmem>>
      %dma_start3A_120 = tpu.memref_squeeze %dma_start3A_119 : memref<1x128x128xf32, #tpu.memory_space<vmem>> -> memref<128x128xf32, #tpu.memory_space<vmem>>
      tpu.enqueue_dma source(%dma_start3A_120 : memref<128x128xf32, #tpu.memory_space<vmem>>) target(%dma_start3A_116 : memref<128x128xf32, #tpu.memory_space<vmem_shared>>) target_semaphore(%run_scoped3A_108 : memref<!tpu.dma_semaphore, #tpu.memory_space<semaphore_mem>>)
      %dma_wait3A = arith.constant 0 : i32
      %dma_wait3A_121 = arith.constant 0 : i32
      %dma_wait3A_122 = tpu.memref_slice %arg6[%run_scoped3A_19, %dma_wait3A, %dma_wait3A_121] : memref<2x128x128xf32, #tpu.memory_space<vmem>> -> memref<1x128x128xf32, #tpu.memory_space<vmem>>
      %dma_wait3A_123 = tpu.memref_squeeze %dma_wait3A_122 : memref<1x128x128xf32, #tpu.memory_space<vmem>> -> memref<128x128xf32, #tpu.memory_space<vmem>>
      %dma_wait3A_124 = arith.constant 0 : i32
      %dma_wait3A_125 = tpu.memref_slice %arg8[%add3A_18, %dma_wait3A_124] : memref<10112x128xf32, #tpu.memory_space<vmem_shared>> -> memref<128x128xf32, #tpu.memory_space<vmem_shared>>
      %dma_wait3A_126 = arith.constant 0 : i32
      %dma_wait3A_127 = tpu.memref_slice %arg8[%add3A_18, %dma_wait3A_126] : memref<10112x128xf32, #tpu.memory_space<vmem_shared>> -> memref<128x128xf32, #tpu.memory_space<vmem_shared>>
      %dma_wait3A_128 = arith.constant 0 : i32
      %dma_wait3A_129 = arith.constant 0 : i32
      %dma_wait3A_130 = tpu.memref_slice %arg6[%run_scoped3A_19, %dma_wait3A_128, %dma_wait3A_129] : memref<2x128x128xf32, #tpu.memory_space<vmem>> -> memref<1x128x128xf32, #tpu.memory_space<vmem>>
      %dma_wait3A_131 = tpu.memref_squeeze %dma_wait3A_130 : memref<1x128x128xf32, #tpu.memory_space<vmem>> -> memref<128x128xf32, #tpu.memory_space<vmem>>
      tpu.wait_dma2 semaphore(%run_scoped3A_108 : memref<!tpu.dma_semaphore, #tpu.memory_space<semaphore_mem>>) src(%dma_wait3A_131 : memref<128x128xf32, #tpu.memory_space<vmem>>) dst(%dma_wait3A_127 : memref<128x128xf32, #tpu.memory_space<vmem_shared>>)
      tpu.yield
    }) : () -> ()
    %add3A_20 = arith.constant 512 : i32
    %add3A_21 = arith.addi %mul3A_2, %add3A_20 : i32
    %run_scoped3A_22 = arith.constant 0 : i32
    "tpu.region"() ({
      %run_scoped3A_108 = tpu.sem_alloc : memref<!tpu.dma_semaphore, #tpu.memory_space<semaphore_mem>>
      %dma_start3A_109 = arith.constant 0 : i32
      %dma_start3A_110 = arith.constant 0 : i32
      %dma_start3A_111 = tpu.memref_slice %arg6[%run_scoped3A_22, %dma_start3A_109, %dma_start3A_110] : memref<2x128x128xf32, #tpu.memory_space<vmem>> -> memref<1x120x128xf32, #tpu.memory_space<vmem>>
      %dma_start3A_112 = tpu.memref_squeeze %dma_start3A_111 : memref<1x120x128xf32, #tpu.memory_space<vmem>> -> memref<120x128xf32, #tpu.memory_space<vmem>>
      %dma_start3A_113 = arith.constant 0 : i32
      %dma_start3A_114 = tpu.memref_slice %arg8[%add3A_21, %dma_start3A_113] : memref<10112x128xf32, #tpu.memory_space<vmem_shared>> -> memref<120x128xf32, #tpu.memory_space<vmem_shared>>
      %dma_start3A_115 = arith.constant 0 : i32
      %dma_start3A_116 = tpu.memref_slice %arg8[%add3A_21, %dma_start3A_115] : memref<10112x128xf32, #tpu.memory_space<vmem_shared>> -> memref<120x128xf32, #tpu.memory_space<vmem_shared>>
      %dma_start3A_117 = arith.constant 0 : i32
      %dma_start3A_118 = arith.constant 0 : i32
      %dma_start3A_119 = tpu.memref_slice %arg6[%run_scoped3A_22, %dma_start3A_117, %dma_start3A_118] : memref<2x128x128xf32, #tpu.memory_space<vmem>> -> memref<1x120x128xf32, #tpu.memory_space<vmem>>
      %dma_start3A_120 = tpu.memref_squeeze %dma_start3A_119 : memref<1x120x128xf32, #tpu.memory_space<vmem>> -> memref<120x128xf32, #tpu.memory_space<vmem>>
      tpu.enqueue_dma source(%dma_start3A_120 : memref<120x128xf32, #tpu.memory_space<vmem>>) target(%dma_start3A_116 : memref<120x128xf32, #tpu.memory_space<vmem_shared>>) target_semaphore(%run_scoped3A_108 : memref<!tpu.dma_semaphore, #tpu.memory_space<semaphore_mem>>)
      %dma_wait3A = arith.constant 0 : i32
      %dma_wait3A_121 = arith.constant 0 : i32
      %dma_wait3A_122 = tpu.memref_slice %arg6[%run_scoped3A_22, %dma_wait3A, %dma_wait3A_121] : memref<2x128x128xf32, #tpu.memory_space<vmem>> -> memref<1x120x128xf32, #tpu.memory_space<vmem>>
      %dma_wait3A_123 = tpu.memref_squeeze %dma_wait3A_122 : memref<1x120x128xf32, #tpu.memory_space<vmem>> -> memref<120x128xf32, #tpu.memory_space<vmem>>
      %dma_wait3A_124 = arith.constant 0 : i32
      %dma_wait3A_125 = tpu.memref_slice %arg8[%add3A_21, %dma_wait3A_124] : memref<10112x128xf32, #tpu.memory_space<vmem_shared>> -> memref<120x128xf32, #tpu.memory_space<vmem_shared>>
      %dma_wait3A_126 = arith.constant 0 : i32
      %dma_wait3A_127 = tpu.memref_slice %arg8[%add3A_21, %dma_wait3A_126] : memref<10112x128xf32, #tpu.memory_space<vmem_shared>> -> memref<120x128xf32, #tpu.memory_space<vmem_shared>>
      %dma_wait3A_128 = arith.constant 0 : i32
      %dma_wait3A_129 = arith.constant 0 : i32
      %dma_wait3A_130 = tpu.memref_slice %arg6[%run_scoped3A_22, %dma_wait3A_128, %dma_wait3A_129] : memref<2x128x128xf32, #tpu.memory_space<vmem>> -> memref<1x120x128xf32, #tpu.memory_space<vmem>>
      %dma_wait3A_131 = tpu.memref_squeeze %dma_wait3A_130 : memref<1x120x128xf32, #tpu.memory_space<vmem>> -> memref<120x128xf32, #tpu.memory_space<vmem>>
      tpu.wait_dma2 semaphore(%run_scoped3A_108 : memref<!tpu.dma_semaphore, #tpu.memory_space<semaphore_mem>>) src(%dma_wait3A_131 : memref<120x128xf32, #tpu.memory_space<vmem>>) dst(%dma_wait3A_127 : memref<120x128xf32, #tpu.memory_space<vmem_shared>>)
      tpu.yield
    }) : () -> ()
    %barrier3A = arith.constant 0 : index
    tpu.barrier barrier_id(%barrier3A)
    %mul3A_23 = arith.constant 78 : i32
    %mul3A_24 = arith.muli %add3A, %mul3A_23 : i32
    %mul3A_25 = arith.constant 128 : i32
    %mul3A_26 = arith.muli %mul3A_24, %mul3A_25 : i32
    %multiple_of3A = tpu.assume_multiple %mul3A_26, 128 : i32
    %dma_start3A = arith.constant 0 : i32
    %dma_start3A_27 = arith.constant 0 : i32
    %dma_start3A_28 = arith.constant 0 : i32
    %dma_start3A_29 = arith.constant 0 : i32
    %dma_start3A_30 = tpu.memref_slice %arg5[%dma_start3A_27, %dma_start3A_29] : memref<2x128xi32, #tpu.memory_space<vmem>> -> memref<1x128xi32, #tpu.memory_space<vmem>>
    %dma_start3A_31 = tpu.memref_squeeze %dma_start3A_30 : memref<1x128xi32, #tpu.memory_space<vmem>> -> memref<128xi32, #tpu.memory_space<vmem>>
    %dma_start3A_32 = tpu.memref_slice %arg3[%dma_start3A, %multiple_of3A] : memref<2x320000xi32, #tpu.memory_space<hbm>> -> memref<1x128xi32, #tpu.memory_space<hbm>>
    %dma_start3A_33 = tpu.memref_squeeze %dma_start3A_32 : memref<1x128xi32, #tpu.memory_space<hbm>> -> memref<128xi32, #tpu.memory_space<hbm>>
    %dma_start3A_34 = tpu.memref_slice %arg7[%dma_start3A_28] : memref<2x!tpu.dma_semaphore, #tpu.memory_space<semaphore_mem>> -> memref<1x!tpu.dma_semaphore, #tpu.memory_space<semaphore_mem>>
    %dma_start3A_35 = tpu.memref_squeeze %dma_start3A_34 : memref<1x!tpu.dma_semaphore, #tpu.memory_space<semaphore_mem>> -> memref<!tpu.dma_semaphore, #tpu.memory_space<semaphore_mem>>
    %dma_start3A_36 = arith.constant 0 : i32
    %dma_start3A_37 = tpu.memref_slice %arg5[%dma_start3A_27, %dma_start3A_36] : memref<2x128xi32, #tpu.memory_space<vmem>> -> memref<1x128xi32, #tpu.memory_space<vmem>>
    %dma_start3A_38 = tpu.memref_squeeze %dma_start3A_37 : memref<1x128xi32, #tpu.memory_space<vmem>> -> memref<128xi32, #tpu.memory_space<vmem>>
    %dma_start3A_39 = tpu.memref_slice %arg3[%dma_start3A, %multiple_of3A] : memref<2x320000xi32, #tpu.memory_space<hbm>> -> memref<1x128xi32, #tpu.memory_space<hbm>>
    %dma_start3A_40 = tpu.memref_squeeze %dma_start3A_39 : memref<1x128xi32, #tpu.memory_space<hbm>> -> memref<128xi32, #tpu.memory_space<hbm>>
    tpu.enqueue_dma source(%dma_start3A_40 : memref<128xi32, #tpu.memory_space<hbm>>) target(%dma_start3A_38 : memref<128xi32, #tpu.memory_space<vmem>>) target_semaphore(%dma_start3A_35 : memref<!tpu.dma_semaphore, #tpu.memory_space<semaphore_mem>>)
    %mul3A_41 = arith.constant 128 : i32
    %mul3A_42 = arith.muli %mul3A_24, %mul3A_41 : i32
    %multiple_of3A_43 = tpu.assume_multiple %mul3A_42, 128 : i32
    %dma_start3A_44 = arith.constant 0 : i32
    %dma_start3A_45 = arith.constant 0 : i32
    %dma_start3A_46 = arith.constant 0 : i32
    %dma_start3A_47 = arith.constant 0 : i32
    %dma_start3A_48 = tpu.memref_slice %arg6[%dma_start3A_44, %dma_start3A_46, %dma_start3A_47] : memref<2x128x128xf32, #tpu.memory_space<vmem>> -> memref<1x128x128xf32, #tpu.memory_space<vmem>>
    %dma_start3A_49 = tpu.memref_squeeze %dma_start3A_48 : memref<1x128x128xf32, #tpu.memory_space<vmem>> -> memref<128x128xf32, #tpu.memory_space<vmem>>
    %dma_start3A_50 = arith.constant 0 : i32
    %dma_start3A_51 = tpu.memref_slice %arg2[%multiple_of3A_43, %dma_start3A_50] : memref<320000x128xf32, #tpu.memory_space<hbm>> -> memref<128x128xf32, #tpu.memory_space<hbm>>
    %dma_start3A_52 = tpu.memref_slice %arg7[%dma_start3A_45] : memref<2x!tpu.dma_semaphore, #tpu.memory_space<semaphore_mem>> -> memref<1x!tpu.dma_semaphore, #tpu.memory_space<semaphore_mem>>
    %dma_start3A_53 = tpu.memref_squeeze %dma_start3A_52 : memref<1x!tpu.dma_semaphore, #tpu.memory_space<semaphore_mem>> -> memref<!tpu.dma_semaphore, #tpu.memory_space<semaphore_mem>>
    %dma_start3A_54 = arith.constant 0 : i32
    %dma_start3A_55 = arith.constant 0 : i32
    %dma_start3A_56 = tpu.memref_slice %arg6[%dma_start3A_44, %dma_start3A_54, %dma_start3A_55] : memref<2x128x128xf32, #tpu.memory_space<vmem>> -> memref<1x128x128xf32, #tpu.memory_space<vmem>>
    %dma_start3A_57 = tpu.memref_squeeze %dma_start3A_56 : memref<1x128x128xf32, #tpu.memory_space<vmem>> -> memref<128x128xf32, #tpu.memory_space<vmem>>
    %dma_start3A_58 = arith.constant 0 : i32
    %dma_start3A_59 = tpu.memref_slice %arg2[%multiple_of3A_43, %dma_start3A_58] : memref<320000x128xf32, #tpu.memory_space<hbm>> -> memref<128x128xf32, #tpu.memory_space<hbm>>
    tpu.enqueue_dma source(%dma_start3A_59 : memref<128x128xf32, #tpu.memory_space<hbm>>) target(%dma_start3A_57 : memref<128x128xf32, #tpu.memory_space<vmem>>) target_semaphore(%dma_start3A_53 : memref<!tpu.dma_semaphore, #tpu.memory_space<semaphore_mem>>)
    %add3A_60 = arith.constant 1 : i32
    %add3A_61 = arith.addi %mul3A_24, %add3A_60 : i32
    %mul3A_62 = arith.constant 128 : i32
    %mul3A_63 = arith.muli %add3A_61, %mul3A_62 : i32
    %multiple_of3A_64 = tpu.assume_multiple %mul3A_63, 128 : i32
    %dma_start3A_65 = arith.constant 0 : i32
    %dma_start3A_66 = arith.constant 1 : i32
    %dma_start3A_67 = arith.constant 1 : i32
    %dma_start3A_68 = arith.constant 0 : i32
    %dma_start3A_69 = tpu.memref_slice %arg5[%dma_start3A_66, %dma_start3A_68] : memref<2x128xi32, #tpu.memory_space<vmem>> -> memref<1x128xi32, #tpu.memory_space<vmem>>
    %dma_start3A_70 = tpu.memref_squeeze %dma_start3A_69 : memref<1x128xi32, #tpu.memory_space<vmem>> -> memref<128xi32, #tpu.memory_space<vmem>>
    %dma_start3A_71 = tpu.memref_slice %arg3[%dma_start3A_65, %multiple_of3A_64] : memref<2x320000xi32, #tpu.memory_space<hbm>> -> memref<1x128xi32, #tpu.memory_space<hbm>>
    %dma_start3A_72 = tpu.memref_squeeze %dma_start3A_71 : memref<1x128xi32, #tpu.memory_space<hbm>> -> memref<128xi32, #tpu.memory_space<hbm>>
    %dma_start3A_73 = tpu.memref_slice %arg7[%dma_start3A_67] : memref<2x!tpu.dma_semaphore, #tpu.memory_space<semaphore_mem>> -> memref<1x!tpu.dma_semaphore, #tpu.memory_space<semaphore_mem>>
    %dma_start3A_74 = tpu.memref_squeeze %dma_start3A_73 : memref<1x!tpu.dma_semaphore, #tpu.memory_space<semaphore_mem>> -> memref<!tpu.dma_semaphore, #tpu.memory_space<semaphore_mem>>
    %dma_start3A_75 = arith.constant 0 : i32
    %dma_start3A_76 = tpu.memref_slice %arg5[%dma_start3A_66, %dma_start3A_75] : memref<2x128xi32, #tpu.memory_space<vmem>> -> memref<1x128xi32, #tpu.memory_space<vmem>>
    %dma_start3A_77 = tpu.memref_squeeze %dma_start3A_76 : memref<1x128xi32, #tpu.memory_space<vmem>> -> memref<128xi32, #tpu.memory_space<vmem>>
    %dma_start3A_78 = tpu.memref_slice %arg3[%dma_start3A_65, %multiple_of3A_64] : memref<2x320000xi32, #tpu.memory_space<hbm>> -> memref<1x128xi32, #tpu.memory_space<hbm>>
    %dma_start3A_79 = tpu.memref_squeeze %dma_start3A_78 : memref<1x128xi32, #tpu.memory_space<hbm>> -> memref<128xi32, #tpu.memory_space<hbm>>
    tpu.enqueue_dma source(%dma_start3A_79 : memref<128xi32, #tpu.memory_space<hbm>>) target(%dma_start3A_77 : memref<128xi32, #tpu.memory_space<vmem>>) target_semaphore(%dma_start3A_74 : memref<!tpu.dma_semaphore, #tpu.memory_space<semaphore_mem>>)
    %mul3A_80 = arith.constant 128 : i32
    %mul3A_81 = arith.muli %add3A_61, %mul3A_80 : i32
    %multiple_of3A_82 = tpu.assume_multiple %mul3A_81, 128 : i32
    %dma_start3A_83 = arith.constant 1 : i32
    %dma_start3A_84 = arith.constant 1 : i32
    %dma_start3A_85 = arith.constant 0 : i32
    %dma_start3A_86 = arith.constant 0 : i32
    %dma_start3A_87 = tpu.memref_slice %arg6[%dma_start3A_83, %dma_start3A_85, %dma_start3A_86] : memref<2x128x128xf32, #tpu.memory_space<vmem>> -> memref<1x128x128xf32, #tpu.memory_space<vmem>>
    %dma_start3A_88 = tpu.memref_squeeze %dma_start3A_87 : memref<1x128x128xf32, #tpu.memory_space<vmem>> -> memref<128x128xf32, #tpu.memory_space<vmem>>
    %dma_start3A_89 = arith.constant 0 : i32
    %dma_start3A_90 = tpu.memref_slice %arg2[%multiple_of3A_82, %dma_start3A_89] : memref<320000x128xf32, #tpu.memory_space<hbm>> -> memref<128x128xf32, #tpu.memory_space<hbm>>
    %dma_start3A_91 = tpu.memref_slice %arg7[%dma_start3A_84] : memref<2x!tpu.dma_semaphore, #tpu.memory_space<semaphore_mem>> -> memref<1x!tpu.dma_semaphore, #tpu.memory_space<semaphore_mem>>
    %dma_start3A_92 = tpu.memref_squeeze %dma_start3A_91 : memref<1x!tpu.dma_semaphore, #tpu.memory_space<semaphore_mem>> -> memref<!tpu.dma_semaphore, #tpu.memory_space<semaphore_mem>>
    %dma_start3A_93 = arith.constant 0 : i32
    %dma_start3A_94 = arith.constant 0 : i32
    %dma_start3A_95 = tpu.memref_slice %arg6[%dma_start3A_83, %dma_start3A_93, %dma_start3A_94] : memref<2x128x128xf32, #tpu.memory_space<vmem>> -> memref<1x128x128xf32, #tpu.memory_space<vmem>>
    %dma_start3A_96 = tpu.memref_squeeze %dma_start3A_95 : memref<1x128x128xf32, #tpu.memory_space<vmem>> -> memref<128x128xf32, #tpu.memory_space<vmem>>
    %dma_start3A_97 = arith.constant 0 : i32
    %dma_start3A_98 = tpu.memref_slice %arg2[%multiple_of3A_82, %dma_start3A_97] : memref<320000x128xf32, #tpu.memory_space<hbm>> -> memref<128x128xf32, #tpu.memory_space<hbm>>
    tpu.enqueue_dma source(%dma_start3A_98 : memref<128x128xf32, #tpu.memory_space<hbm>>) target(%dma_start3A_96 : memref<128x128xf32, #tpu.memory_space<vmem>>) target_semaphore(%dma_start3A_92 : memref<!tpu.dma_semaphore, #tpu.memory_space<semaphore_mem>>)
    %scan3A_99 = arith.constant 0 : i32
    %scan3A_100 = arith.constant 0 : i32
    %scan3A_101 = arith.constant 39 : i32
    %scan3A_102 = arith.addi %scan3A_100, %scan3A_101 : i32
    %scan3A_103 = arith.constant 1 : i32
    scf.for %scan3A_108 = %scan3A_100 to %scan3A_102 step %scan3A_103  : i32 {
      %dma_wait3A = arith.constant 0 : i32
      %dma_wait3A_109 = arith.constant 0 : i32
      %dma_wait3A_110 = arith.constant 0 : i32
      %dma_wait3A_111 = arith.constant 0 : i32
      %dma_wait3A_112 = tpu.memref_slice %arg5[%dma_wait3A_109, %dma_wait3A_111] : memref<2x128xi32, #tpu.memory_space<vmem>> -> memref<1x128xi32, #tpu.memory_space<vmem>>
      %dma_wait3A_113 = tpu.memref_squeeze %dma_wait3A_112 : memref<1x128xi32, #tpu.memory_space<vmem>> -> memref<128xi32, #tpu.memory_space<vmem>>
      %dma_wait3A_114 = arith.constant 0 : i32
      %dma_wait3A_115 = tpu.memref_slice %arg3[%dma_wait3A, %dma_wait3A_114] : memref<2x320000xi32, #tpu.memory_space<hbm>> -> memref<1x128xi32, #tpu.memory_space<hbm>>
      %dma_wait3A_116 = tpu.memref_squeeze %dma_wait3A_115 : memref<1x128xi32, #tpu.memory_space<hbm>> -> memref<128xi32, #tpu.memory_space<hbm>>
      %dma_wait3A_117 = tpu.memref_slice %arg7[%dma_wait3A_110] : memref<2x!tpu.dma_semaphore, #tpu.memory_space<semaphore_mem>> -> memref<1x!tpu.dma_semaphore, #tpu.memory_space<semaphore_mem>>
      %dma_wait3A_118 = tpu.memref_squeeze %dma_wait3A_117 : memref<1x!tpu.dma_semaphore, #tpu.memory_space<semaphore_mem>> -> memref<!tpu.dma_semaphore, #tpu.memory_space<semaphore_mem>>
      %dma_wait3A_119 = arith.constant 0 : i32
      %dma_wait3A_120 = tpu.memref_slice %arg5[%dma_wait3A_109, %dma_wait3A_119] : memref<2x128xi32, #tpu.memory_space<vmem>> -> memref<1x128xi32, #tpu.memory_space<vmem>>
      %dma_wait3A_121 = tpu.memref_squeeze %dma_wait3A_120 : memref<1x128xi32, #tpu.memory_space<vmem>> -> memref<128xi32, #tpu.memory_space<vmem>>
      %dma_wait3A_122 = arith.constant 0 : i32
      %dma_wait3A_123 = tpu.memref_slice %arg3[%dma_wait3A, %dma_wait3A_122] : memref<2x320000xi32, #tpu.memory_space<hbm>> -> memref<1x128xi32, #tpu.memory_space<hbm>>
      %dma_wait3A_124 = tpu.memref_squeeze %dma_wait3A_123 : memref<1x128xi32, #tpu.memory_space<hbm>> -> memref<128xi32, #tpu.memory_space<hbm>>
      tpu.wait_dma2 semaphore(%dma_wait3A_118 : memref<!tpu.dma_semaphore, #tpu.memory_space<semaphore_mem>>) src(%dma_wait3A_124 : memref<128xi32, #tpu.memory_space<hbm>>) dst(%dma_wait3A_121 : memref<128xi32, #tpu.memory_space<vmem>>)
      %dma_wait3A_125 = arith.constant 0 : i32
      %dma_wait3A_126 = arith.constant 0 : i32
      %dma_wait3A_127 = arith.constant 0 : i32
      %dma_wait3A_128 = arith.constant 0 : i32
      %dma_wait3A_129 = tpu.memref_slice %arg6[%dma_wait3A_125, %dma_wait3A_127, %dma_wait3A_128] : memref<2x128x128xf32, #tpu.memory_space<vmem>> -> memref<1x128x128xf32, #tpu.memory_space<vmem>>
      %dma_wait3A_130 = tpu.memref_squeeze %dma_wait3A_129 : memref<1x128x128xf32, #tpu.memory_space<vmem>> -> memref<128x128xf32, #tpu.memory_space<vmem>>
      %dma_wait3A_131 = arith.constant 0 : i32
      %dma_wait3A_132 = arith.constant 0 : i32
      %dma_wait3A_133 = tpu.memref_slice %arg2[%dma_wait3A_131, %dma_wait3A_132] : memref<320000x128xf32, #tpu.memory_space<hbm>> -> memref<128x128xf32, #tpu.memory_space<hbm>>
      %dma_wait3A_134 = tpu.memref_slice %arg7[%dma_wait3A_126] : memref<2x!tpu.dma_semaphore, #tpu.memory_space<semaphore_mem>> -> memref<1x!tpu.dma_semaphore, #tpu.memory_space<semaphore_mem>>
      %dma_wait3A_135 = tpu.memref_squeeze %dma_wait3A_134 : memref<1x!tpu.dma_semaphore, #tpu.memory_space<semaphore_mem>> -> memref<!tpu.dma_semaphore, #tpu.memory_space<semaphore_mem>>
      %dma_wait3A_136 = arith.constant 0 : i32
      %dma_wait3A_137 = arith.constant 0 : i32
      %dma_wait3A_138 = tpu.memref_slice %arg6[%dma_wait3A_125, %dma_wait3A_136, %dma_wait3A_137] : memref<2x128x128xf32, #tpu.memory_space<vmem>> -> memref<1x128x128xf32, #tpu.memory_space<vmem>>
      %dma_wait3A_139 = tpu.memref_squeeze %dma_wait3A_138 : memref<1x128x128xf32, #tpu.memory_space<vmem>> -> memref<128x128xf32, #tpu.memory_space<vmem>>
      %dma_wait3A_140 = arith.constant 0 : i32
      %dma_wait3A_141 = arith.constant 0 : i32
      %dma_wait3A_142 = tpu.memref_slice %arg2[%dma_wait3A_140, %dma_wait3A_141] : memref<320000x128xf32, #tpu.memory_space<hbm>> -> memref<128x128xf32, #tpu.memory_space<hbm>>
      tpu.wait_dma2 semaphore(%dma_wait3A_135 : memref<!tpu.dma_semaphore, #tpu.memory_space<semaphore_mem>>) src(%dma_wait3A_142 : memref<128x128xf32, #tpu.memory_space<hbm>>) dst(%dma_wait3A_139 : memref<128x128xf32, #tpu.memory_space<vmem>>)
      %run_scoped3A_143 = arith.constant 0 : i32
      %run_scoped3A_144 = arith.constant 0 : i32
      "tpu.region"() ({
        %run_scoped3A_203 = tpu.sem_alloc : memref<!tpu.dma_semaphore, #tpu.memory_space<semaphore_mem>>
        %dma_start3A_204 = arith.constant 0 : i32
        %dma_start3A_205 = arith.constant 0 : i32
        %dma_start3A_206 = tpu.memref_slice %arg6[%run_scoped3A_143, %dma_start3A_204, %dma_start3A_205] : memref<2x128x128xf32, #tpu.memory_space<vmem>> -> memref<1x128x128xf32, #tpu.memory_space<vmem>>
        %dma_start3A_207 = tpu.memref_squeeze %dma_start3A_206 : memref<1x128x128xf32, #tpu.memory_space<vmem>> -> memref<128x128xf32, #tpu.memory_space<vmem>>
        %dma_start3A_208 = arith.constant 0 : i32
        %dma_start3A_209 = tpu.memref_slice %arg5[%run_scoped3A_144, %dma_start3A_208] : memref<2x128xi32, #tpu.memory_space<vmem>> -> memref<1x128xi32, #tpu.memory_space<vmem>>
        %dma_start3A_210 = tpu.memref_squeeze %dma_start3A_209 : memref<1x128xi32, #tpu.memory_space<vmem>> -> memref<128xi32, #tpu.memory_space<vmem>>
        %dma_start3A_211 = arith.constant 0 : i32
        %dma_start3A_212 = arith.constant 0 : i32
        %dma_start3A_213 = tpu.memref_slice %arg8[%dma_start3A_211, %dma_start3A_212] : memref<10112x128xf32, #tpu.memory_space<vmem_shared>> -> memref<10112x128xf32, #tpu.memory_space<vmem_shared>>
        tpu.enqueue_indirect_dma source(%dma_start3A_207 : memref<128x128xf32, #tpu.memory_space<vmem>>) target(%dma_start3A_213 : memref<10112x128xf32, #tpu.memory_space<vmem_shared>>) offsets(%dma_start3A_210 : memref<128xi32, #tpu.memory_space<vmem>>) semaphore(%run_scoped3A_203 : memref<!tpu.dma_semaphore, #tpu.memory_space<semaphore_mem>>) {add = true}
        %dma_wait3A_214 = arith.constant 0 : i32
        %dma_wait3A_215 = arith.constant 0 : i32
        %dma_wait3A_216 = tpu.memref_slice %arg6[%run_scoped3A_143, %dma_wait3A_214, %dma_wait3A_215] : memref<2x128x128xf32, #tpu.memory_space<vmem>> -> memref<1x128x128xf32, #tpu.memory_space<vmem>>
        %dma_wait3A_217 = tpu.memref_squeeze %dma_wait3A_216 : memref<1x128x128xf32, #tpu.memory_space<vmem>> -> memref<128x128xf32, #tpu.memory_space<vmem>>
        %dma_wait3A_218 = arith.constant 0 : i32
        %dma_wait3A_219 = tpu.memref_slice %arg5[%run_scoped3A_144, %dma_wait3A_218] : memref<2x128xi32, #tpu.memory_space<vmem>> -> memref<1x128xi32, #tpu.memory_space<vmem>>
        %dma_wait3A_220 = tpu.memref_squeeze %dma_wait3A_219 : memref<1x128xi32, #tpu.memory_space<vmem>> -> memref<128xi32, #tpu.memory_space<vmem>>
        %dma_wait3A_221 = arith.constant 0 : i32
        %dma_wait3A_222 = arith.constant 0 : i32
        %dma_wait3A_223 = tpu.memref_slice %arg8[%dma_wait3A_221, %dma_wait3A_222] : memref<10112x128xf32, #tpu.memory_space<vmem_shared>> -> memref<10112x128xf32, #tpu.memory_space<vmem_shared>>
        tpu.wait_indirect_dma semaphore(%run_scoped3A_203 : memref<!tpu.dma_semaphore, #tpu.memory_space<semaphore_mem>>) src(%dma_wait3A_217 : memref<128x128xf32, #tpu.memory_space<vmem>>) dst(%dma_wait3A_223 : memref<10112x128xf32, #tpu.memory_space<vmem_shared>>)
        tpu.yield
      }) : () -> ()
      %mul3A_145 = arith.constant 2 : i32
      %mul3A_146 = arith.muli %scan3A_108, %mul3A_145 : i32
      %add3A_147 = arith.constant 0 : i32
      %add3A_148 = arith.addi %mul3A_146, %add3A_147 : i32
      %add3A_149 = arith.constant 2 : i32
      %add3A_150 = arith.addi %add3A_148, %add3A_149 : i32
      %le3A = arith.constant 77 : i32
      %le3A_151 = arith.cmpi sle, %add3A_150, %le3A : i32
      %convert_element_type3A_152 = arith.extui %le3A_151 : i1 to i32
      %cond3A_153 = arith.constant 0 : i32
      %cond3A_154 = arith.cmpi ne, %convert_element_type3A_152, %cond3A_153 : i32
      scf.if %cond3A_154 {
        %mul3A_203 = arith.constant 2 : i32
        %mul3A_204 = arith.muli %scan3A_108, %mul3A_203 : i32
        %add3A_205 = arith.addi %mul3A_24, %mul3A_204 : i32
        %add3A_206 = arith.constant 0 : i32
        %add3A_207 = arith.addi %add3A_205, %add3A_206 : i32
        %add3A_208 = arith.constant 2 : i32
        %add3A_209 = arith.addi %add3A_207, %add3A_208 : i32
        %mul3A_210 = arith.constant 128 : i32
        %mul3A_211 = arith.muli %add3A_209, %mul3A_210 : i32
        %multiple_of3A_212 = tpu.assume_multiple %mul3A_211, 128 : i32
        %dma_start3A_213 = arith.constant 0 : i32
        %dma_start3A_214 = arith.constant 0 : i32
        %dma_start3A_215 = arith.constant 0 : i32
        %dma_start3A_216 = arith.constant 0 : i32
        %dma_start3A_217 = tpu.memref_slice %arg5[%dma_start3A_214, %dma_start3A_216] : memref<2x128xi32, #tpu.memory_space<vmem>> -> memref<1x128xi32, #tpu.memory_space<vmem>>
        %dma_start3A_218 = tpu.memref_squeeze %dma_start3A_217 : memref<1x128xi32, #tpu.memory_space<vmem>> -> memref<128xi32, #tpu.memory_space<vmem>>
        %dma_start3A_219 = tpu.memref_slice %arg3[%dma_start3A_213, %multiple_of3A_212] : memref<2x320000xi32, #tpu.memory_space<hbm>> -> memref<1x128xi32, #tpu.memory_space<hbm>>
        %dma_start3A_220 = tpu.memref_squeeze %dma_start3A_219 : memref<1x128xi32, #tpu.memory_space<hbm>> -> memref<128xi32, #tpu.memory_space<hbm>>
        %dma_start3A_221 = tpu.memref_slice %arg7[%dma_start3A_215] : memref<2x!tpu.dma_semaphore, #tpu.memory_space<semaphore_mem>> -> memref<1x!tpu.dma_semaphore, #tpu.memory_space<semaphore_mem>>
        %dma_start3A_222 = tpu.memref_squeeze %dma_start3A_221 : memref<1x!tpu.dma_semaphore, #tpu.memory_space<semaphore_mem>> -> memref<!tpu.dma_semaphore, #tpu.memory_space<semaphore_mem>>
        %dma_start3A_223 = arith.constant 0 : i32
        %dma_start3A_224 = tpu.memref_slice %arg5[%dma_start3A_214, %dma_start3A_223] : memref<2x128xi32, #tpu.memory_space<vmem>> -> memref<1x128xi32, #tpu.memory_space<vmem>>
        %dma_start3A_225 = tpu.memref_squeeze %dma_start3A_224 : memref<1x128xi32, #tpu.memory_space<vmem>> -> memref<128xi32, #tpu.memory_space<vmem>>
        %dma_start3A_226 = tpu.memref_slice %arg3[%dma_start3A_213, %multiple_of3A_212] : memref<2x320000xi32, #tpu.memory_space<hbm>> -> memref<1x128xi32, #tpu.memory_space<hbm>>
        %dma_start3A_227 = tpu.memref_squeeze %dma_start3A_226 : memref<1x128xi32, #tpu.memory_space<hbm>> -> memref<128xi32, #tpu.memory_space<hbm>>
        tpu.enqueue_dma source(%dma_start3A_227 : memref<128xi32, #tpu.memory_space<hbm>>) target(%dma_start3A_225 : memref<128xi32, #tpu.memory_space<vmem>>) target_semaphore(%dma_start3A_222 : memref<!tpu.dma_semaphore, #tpu.memory_space<semaphore_mem>>)
        %mul3A_228 = arith.constant 128 : i32
        %mul3A_229 = arith.muli %add3A_209, %mul3A_228 : i32
        %multiple_of3A_230 = tpu.assume_multiple %mul3A_229, 128 : i32
        %dma_start3A_231 = arith.constant 0 : i32
        %dma_start3A_232 = arith.constant 0 : i32
        %dma_start3A_233 = arith.constant 0 : i32
        %dma_start3A_234 = arith.constant 0 : i32
        %dma_start3A_235 = tpu.memref_slice %arg6[%dma_start3A_231, %dma_start3A_233, %dma_start3A_234] : memref<2x128x128xf32, #tpu.memory_space<vmem>> -> memref<1x128x128xf32, #tpu.memory_space<vmem>>
        %dma_start3A_236 = tpu.memref_squeeze %dma_start3A_235 : memref<1x128x128xf32, #tpu.memory_space<vmem>> -> memref<128x128xf32, #tpu.memory_space<vmem>>
        %dma_start3A_237 = arith.constant 0 : i32
        %dma_start3A_238 = tpu.memref_slice %arg2[%multiple_of3A_230, %dma_start3A_237] : memref<320000x128xf32, #tpu.memory_space<hbm>> -> memref<128x128xf32, #tpu.memory_space<hbm>>
        %dma_start3A_239 = tpu.memref_slice %arg7[%dma_start3A_232] : memref<2x!tpu.dma_semaphore, #tpu.memory_space<semaphore_mem>> -> memref<1x!tpu.dma_semaphore, #tpu.memory_space<semaphore_mem>>
        %dma_start3A_240 = tpu.memref_squeeze %dma_start3A_239 : memref<1x!tpu.dma_semaphore, #tpu.memory_space<semaphore_mem>> -> memref<!tpu.dma_semaphore, #tpu.memory_space<semaphore_mem>>
        %dma_start3A_241 = arith.constant 0 : i32
        %dma_start3A_242 = arith.constant 0 : i32
        %dma_start3A_243 = tpu.memref_slice %arg6[%dma_start3A_231, %dma_start3A_241, %dma_start3A_242] : memref<2x128x128xf32, #tpu.memory_space<vmem>> -> memref<1x128x128xf32, #tpu.memory_space<vmem>>
        %dma_start3A_244 = tpu.memref_squeeze %dma_start3A_243 : memref<1x128x128xf32, #tpu.memory_space<vmem>> -> memref<128x128xf32, #tpu.memory_space<vmem>>
        %dma_start3A_245 = arith.constant 0 : i32
        %dma_start3A_246 = tpu.memref_slice %arg2[%multiple_of3A_230, %dma_start3A_245] : memref<320000x128xf32, #tpu.memory_space<hbm>> -> memref<128x128xf32, #tpu.memory_space<hbm>>
        tpu.enqueue_dma source(%dma_start3A_246 : memref<128x128xf32, #tpu.memory_space<hbm>>) target(%dma_start3A_244 : memref<128x128xf32, #tpu.memory_space<vmem>>) target_semaphore(%dma_start3A_240 : memref<!tpu.dma_semaphore, #tpu.memory_space<semaphore_mem>>)
      } else {
      }
      %dma_wait3A_155 = arith.constant 0 : i32
      %dma_wait3A_156 = arith.constant 1 : i32
      %dma_wait3A_157 = arith.constant 1 : i32
      %dma_wait3A_158 = arith.constant 0 : i32
      %dma_wait3A_159 = tpu.memref_slice %arg5[%dma_wait3A_156, %dma_wait3A_158] : memref<2x128xi32, #tpu.memory_space<vmem>> -> memref<1x128xi32, #tpu.memory_space<vmem>>
      %dma_wait3A_160 = tpu.memref_squeeze %dma_wait3A_159 : memref<1x128xi32, #tpu.memory_space<vmem>> -> memref<128xi32, #tpu.memory_space<vmem>>
      %dma_wait3A_161 = arith.constant 0 : i32
      %dma_wait3A_162 = tpu.memref_slice %arg3[%dma_wait3A_155, %dma_wait3A_161] : memref<2x320000xi32, #tpu.memory_space<hbm>> -> memref<1x128xi32, #tpu.memory_space<hbm>>
      %dma_wait3A_163 = tpu.memref_squeeze %dma_wait3A_162 : memref<1x128xi32, #tpu.memory_space<hbm>> -> memref<128xi32, #tpu.memory_space<hbm>>
      %dma_wait3A_164 = tpu.memref_slice %arg7[%dma_wait3A_157] : memref<2x!tpu.dma_semaphore, #tpu.memory_space<semaphore_mem>> -> memref<1x!tpu.dma_semaphore, #tpu.memory_space<semaphore_mem>>
      %dma_wait3A_165 = tpu.memref_squeeze %dma_wait3A_164 : memref<1x!tpu.dma_semaphore, #tpu.memory_space<semaphore_mem>> -> memref<!tpu.dma_semaphore, #tpu.memory_space<semaphore_mem>>
      %dma_wait3A_166 = arith.constant 0 : i32
      %dma_wait3A_167 = tpu.memref_slice %arg5[%dma_wait3A_156, %dma_wait3A_166] : memref<2x128xi32, #tpu.memory_space<vmem>> -> memref<1x128xi32, #tpu.memory_space<vmem>>
      %dma_wait3A_168 = tpu.memref_squeeze %dma_wait3A_167 : memref<1x128xi32, #tpu.memory_space<vmem>> -> memref<128xi32, #tpu.memory_space<vmem>>
      %dma_wait3A_169 = arith.constant 0 : i32
      %dma_wait3A_170 = tpu.memref_slice %arg3[%dma_wait3A_155, %dma_wait3A_169] : memref<2x320000xi32, #tpu.memory_space<hbm>> -> memref<1x128xi32, #tpu.memory_space<hbm>>
      %dma_wait3A_171 = tpu.memref_squeeze %dma_wait3A_170 : memref<1x128xi32, #tpu.memory_space<hbm>> -> memref<128xi32, #tpu.memory_space<hbm>>
      tpu.wait_dma2 semaphore(%dma_wait3A_165 : memref<!tpu.dma_semaphore, #tpu.memory_space<semaphore_mem>>) src(%dma_wait3A_171 : memref<128xi32, #tpu.memory_space<hbm>>) dst(%dma_wait3A_168 : memref<128xi32, #tpu.memory_space<vmem>>)
      %dma_wait3A_172 = arith.constant 1 : i32
      %dma_wait3A_173 = arith.constant 1 : i32
      %dma_wait3A_174 = arith.constant 0 : i32
      %dma_wait3A_175 = arith.constant 0 : i32
      %dma_wait3A_176 = tpu.memref_slice %arg6[%dma_wait3A_172, %dma_wait3A_174, %dma_wait3A_175] : memref<2x128x128xf32, #tpu.memory_space<vmem>> -> memref<1x128x128xf32, #tpu.memory_space<vmem>>
      %dma_wait3A_177 = tpu.memref_squeeze %dma_wait3A_176 : memref<1x128x128xf32, #tpu.memory_space<vmem>> -> memref<128x128xf32, #tpu.memory_space<vmem>>
      %dma_wait3A_178 = arith.constant 0 : i32
      %dma_wait3A_179 = arith.constant 0 : i32
      %dma_wait3A_180 = tpu.memref_slice %arg2[%dma_wait3A_178, %dma_wait3A_179] : memref<320000x128xf32, #tpu.memory_space<hbm>> -> memref<128x128xf32, #tpu.memory_space<hbm>>
      %dma_wait3A_181 = tpu.memref_slice %arg7[%dma_wait3A_173] : memref<2x!tpu.dma_semaphore, #tpu.memory_space<semaphore_mem>> -> memref<1x!tpu.dma_semaphore, #tpu.memory_space<semaphore_mem>>
      %dma_wait3A_182 = tpu.memref_squeeze %dma_wait3A_181 : memref<1x!tpu.dma_semaphore, #tpu.memory_space<semaphore_mem>> -> memref<!tpu.dma_semaphore, #tpu.memory_space<semaphore_mem>>
      %dma_wait3A_183 = arith.constant 0 : i32
      %dma_wait3A_184 = arith.constant 0 : i32
      %dma_wait3A_185 = tpu.memref_slice %arg6[%dma_wait3A_172, %dma_wait3A_183, %dma_wait3A_184] : memref<2x128x128xf32, #tpu.memory_space<vmem>> -> memref<1x128x128xf32, #tpu.memory_space<vmem>>
      %dma_wait3A_186 = tpu.memref_squeeze %dma_wait3A_185 : memref<1x128x128xf32, #tpu.memory_space<vmem>> -> memref<128x128xf32, #tpu.memory_space<vmem>>
      %dma_wait3A_187 = arith.constant 0 : i32
      %dma_wait3A_188 = arith.constant 0 : i32
      %dma_wait3A_189 = tpu.memref_slice %arg2[%dma_wait3A_187, %dma_wait3A_188] : memref<320000x128xf32, #tpu.memory_space<hbm>> -> memref<128x128xf32, #tpu.memory_space<hbm>>
      tpu.wait_dma2 semaphore(%dma_wait3A_182 : memref<!tpu.dma_semaphore, #tpu.memory_space<semaphore_mem>>) src(%dma_wait3A_189 : memref<128x128xf32, #tpu.memory_space<hbm>>) dst(%dma_wait3A_186 : memref<128x128xf32, #tpu.memory_space<vmem>>)
      %run_scoped3A_190 = arith.constant 1 : i32
      %run_scoped3A_191 = arith.constant 1 : i32
      "tpu.region"() ({
        %run_scoped3A_203 = tpu.sem_alloc : memref<!tpu.dma_semaphore, #tpu.memory_space<semaphore_mem>>
        %dma_start3A_204 = arith.constant 0 : i32
        %dma_start3A_205 = arith.constant 0 : i32
        %dma_start3A_206 = tpu.memref_slice %arg6[%run_scoped3A_190, %dma_start3A_204, %dma_start3A_205] : memref<2x128x128xf32, #tpu.memory_space<vmem>> -> memref<1x128x128xf32, #tpu.memory_space<vmem>>
        %dma_start3A_207 = tpu.memref_squeeze %dma_start3A_206 : memref<1x128x128xf32, #tpu.memory_space<vmem>> -> memref<128x128xf32, #tpu.memory_space<vmem>>
        %dma_start3A_208 = arith.constant 0 : i32
        %dma_start3A_209 = tpu.memref_slice %arg5[%run_scoped3A_191, %dma_start3A_208] : memref<2x128xi32, #tpu.memory_space<vmem>> -> memref<1x128xi32, #tpu.memory_space<vmem>>
        %dma_start3A_210 = tpu.memref_squeeze %dma_start3A_209 : memref<1x128xi32, #tpu.memory_space<vmem>> -> memref<128xi32, #tpu.memory_space<vmem>>
        %dma_start3A_211 = arith.constant 0 : i32
        %dma_start3A_212 = arith.constant 0 : i32
        %dma_start3A_213 = tpu.memref_slice %arg8[%dma_start3A_211, %dma_start3A_212] : memref<10112x128xf32, #tpu.memory_space<vmem_shared>> -> memref<10112x128xf32, #tpu.memory_space<vmem_shared>>
        tpu.enqueue_indirect_dma source(%dma_start3A_207 : memref<128x128xf32, #tpu.memory_space<vmem>>) target(%dma_start3A_213 : memref<10112x128xf32, #tpu.memory_space<vmem_shared>>) offsets(%dma_start3A_210 : memref<128xi32, #tpu.memory_space<vmem>>) semaphore(%run_scoped3A_203 : memref<!tpu.dma_semaphore, #tpu.memory_space<semaphore_mem>>) {add = true}
        %dma_wait3A_214 = arith.constant 0 : i32
        %dma_wait3A_215 = arith.constant 0 : i32
        %dma_wait3A_216 = tpu.memref_slice %arg6[%run_scoped3A_190, %dma_wait3A_214, %dma_wait3A_215] : memref<2x128x128xf32, #tpu.memory_space<vmem>> -> memref<1x128x128xf32, #tpu.memory_space<vmem>>
        %dma_wait3A_217 = tpu.memref_squeeze %dma_wait3A_216 : memref<1x128x128xf32, #tpu.memory_space<vmem>> -> memref<128x128xf32, #tpu.memory_space<vmem>>
        %dma_wait3A_218 = arith.constant 0 : i32
        %dma_wait3A_219 = tpu.memref_slice %arg5[%run_scoped3A_191, %dma_wait3A_218] : memref<2x128xi32, #tpu.memory_space<vmem>> -> memref<1x128xi32, #tpu.memory_space<vmem>>
        %dma_wait3A_220 = tpu.memref_squeeze %dma_wait3A_219 : memref<1x128xi32, #tpu.memory_space<vmem>> -> memref<128xi32, #tpu.memory_space<vmem>>
        %dma_wait3A_221 = arith.constant 0 : i32
        %dma_wait3A_222 = arith.constant 0 : i32
        %dma_wait3A_223 = tpu.memref_slice %arg8[%dma_wait3A_221, %dma_wait3A_222] : memref<10112x128xf32, #tpu.memory_space<vmem_shared>> -> memref<10112x128xf32, #tpu.memory_space<vmem_shared>>
        tpu.wait_indirect_dma semaphore(%run_scoped3A_203 : memref<!tpu.dma_semaphore, #tpu.memory_space<semaphore_mem>>) src(%dma_wait3A_217 : memref<128x128xf32, #tpu.memory_space<vmem>>) dst(%dma_wait3A_223 : memref<10112x128xf32, #tpu.memory_space<vmem_shared>>)
        tpu.yield
      }) : () -> ()
      %mul3A_192 = arith.constant 2 : i32
      %mul3A_193 = arith.muli %scan3A_108, %mul3A_192 : i32
      %add3A_194 = arith.constant 1 : i32
      %add3A_195 = arith.addi %mul3A_193, %add3A_194 : i32
      %add3A_196 = arith.constant 2 : i32
      %add3A_197 = arith.addi %add3A_195, %add3A_196 : i32
      %le3A_198 = arith.constant 77 : i32
      %le3A_199 = arith.cmpi sle, %add3A_197, %le3A_198 : i32
      %convert_element_type3A_200 = arith.extui %le3A_199 : i1 to i32
      %cond3A_201 = arith.constant 0 : i32
      %cond3A_202 = arith.cmpi ne, %convert_element_type3A_200, %cond3A_201 : i32
      scf.if %cond3A_202 {
        %mul3A_203 = arith.constant 2 : i32
        %mul3A_204 = arith.muli %scan3A_108, %mul3A_203 : i32
        %add3A_205 = arith.addi %mul3A_24, %mul3A_204 : i32
        %add3A_206 = arith.constant 1 : i32
        %add3A_207 = arith.addi %add3A_205, %add3A_206 : i32
        %add3A_208 = arith.constant 2 : i32
        %add3A_209 = arith.addi %add3A_207, %add3A_208 : i32
        %mul3A_210 = arith.constant 128 : i32
        %mul3A_211 = arith.muli %add3A_209, %mul3A_210 : i32
        %multiple_of3A_212 = tpu.assume_multiple %mul3A_211, 128 : i32
        %dma_start3A_213 = arith.constant 0 : i32
        %dma_start3A_214 = arith.constant 1 : i32
        %dma_start3A_215 = arith.constant 1 : i32
        %dma_start3A_216 = arith.constant 0 : i32
        %dma_start3A_217 = tpu.memref_slice %arg5[%dma_start3A_214, %dma_start3A_216] : memref<2x128xi32, #tpu.memory_space<vmem>> -> memref<1x128xi32, #tpu.memory_space<vmem>>
        %dma_start3A_218 = tpu.memref_squeeze %dma_start3A_217 : memref<1x128xi32, #tpu.memory_space<vmem>> -> memref<128xi32, #tpu.memory_space<vmem>>
        %dma_start3A_219 = tpu.memref_slice %arg3[%dma_start3A_213, %multiple_of3A_212] : memref<2x320000xi32, #tpu.memory_space<hbm>> -> memref<1x128xi32, #tpu.memory_space<hbm>>
        %dma_start3A_220 = tpu.memref_squeeze %dma_start3A_219 : memref<1x128xi32, #tpu.memory_space<hbm>> -> memref<128xi32, #tpu.memory_space<hbm>>
        %dma_start3A_221 = tpu.memref_slice %arg7[%dma_start3A_215] : memref<2x!tpu.dma_semaphore, #tpu.memory_space<semaphore_mem>> -> memref<1x!tpu.dma_semaphore, #tpu.memory_space<semaphore_mem>>
        %dma_start3A_222 = tpu.memref_squeeze %dma_start3A_221 : memref<1x!tpu.dma_semaphore, #tpu.memory_space<semaphore_mem>> -> memref<!tpu.dma_semaphore, #tpu.memory_space<semaphore_mem>>
        %dma_start3A_223 = arith.constant 0 : i32
        %dma_start3A_224 = tpu.memref_slice %arg5[%dma_start3A_214, %dma_start3A_223] : memref<2x128xi32, #tpu.memory_space<vmem>> -> memref<1x128xi32, #tpu.memory_space<vmem>>
        %dma_start3A_225 = tpu.memref_squeeze %dma_start3A_224 : memref<1x128xi32, #tpu.memory_space<vmem>> -> memref<128xi32, #tpu.memory_space<vmem>>
        %dma_start3A_226 = tpu.memref_slice %arg3[%dma_start3A_213, %multiple_of3A_212] : memref<2x320000xi32, #tpu.memory_space<hbm>> -> memref<1x128xi32, #tpu.memory_space<hbm>>
        %dma_start3A_227 = tpu.memref_squeeze %dma_start3A_226 : memref<1x128xi32, #tpu.memory_space<hbm>> -> memref<128xi32, #tpu.memory_space<hbm>>
        tpu.enqueue_dma source(%dma_start3A_227 : memref<128xi32, #tpu.memory_space<hbm>>) target(%dma_start3A_225 : memref<128xi32, #tpu.memory_space<vmem>>) target_semaphore(%dma_start3A_222 : memref<!tpu.dma_semaphore, #tpu.memory_space<semaphore_mem>>)
        %mul3A_228 = arith.constant 128 : i32
        %mul3A_229 = arith.muli %add3A_209, %mul3A_228 : i32
        %multiple_of3A_230 = tpu.assume_multiple %mul3A_229, 128 : i32
        %dma_start3A_231 = arith.constant 1 : i32
        %dma_start3A_232 = arith.constant 1 : i32
        %dma_start3A_233 = arith.constant 0 : i32
        %dma_start3A_234 = arith.constant 0 : i32
        %dma_start3A_235 = tpu.memref_slice %arg6[%dma_start3A_231, %dma_start3A_233, %dma_start3A_234] : memref<2x128x128xf32, #tpu.memory_space<vmem>> -> memref<1x128x128xf32, #tpu.memory_space<vmem>>
        %dma_start3A_236 = tpu.memref_squeeze %dma_start3A_235 : memref<1x128x128xf32, #tpu.memory_space<vmem>> -> memref<128x128xf32, #tpu.memory_space<vmem>>
        %dma_start3A_237 = arith.constant 0 : i32
        %dma_start3A_238 = tpu.memref_slice %arg2[%multiple_of3A_230, %dma_start3A_237] : memref<320000x128xf32, #tpu.memory_space<hbm>> -> memref<128x128xf32, #tpu.memory_space<hbm>>
        %dma_start3A_239 = tpu.memref_slice %arg7[%dma_start3A_232] : memref<2x!tpu.dma_semaphore, #tpu.memory_space<semaphore_mem>> -> memref<1x!tpu.dma_semaphore, #tpu.memory_space<semaphore_mem>>
        %dma_start3A_240 = tpu.memref_squeeze %dma_start3A_239 : memref<1x!tpu.dma_semaphore, #tpu.memory_space<semaphore_mem>> -> memref<!tpu.dma_semaphore, #tpu.memory_space<semaphore_mem>>
        %dma_start3A_241 = arith.constant 0 : i32
        %dma_start3A_242 = arith.constant 0 : i32
        %dma_start3A_243 = tpu.memref_slice %arg6[%dma_start3A_231, %dma_start3A_241, %dma_start3A_242] : memref<2x128x128xf32, #tpu.memory_space<vmem>> -> memref<1x128x128xf32, #tpu.memory_space<vmem>>
        %dma_start3A_244 = tpu.memref_squeeze %dma_start3A_243 : memref<1x128x128xf32, #tpu.memory_space<vmem>> -> memref<128x128xf32, #tpu.memory_space<vmem>>
        %dma_start3A_245 = arith.constant 0 : i32
        %dma_start3A_246 = tpu.memref_slice %arg2[%multiple_of3A_230, %dma_start3A_245] : memref<320000x128xf32, #tpu.memory_space<hbm>> -> memref<128x128xf32, #tpu.memory_space<hbm>>
        tpu.enqueue_dma source(%dma_start3A_246 : memref<128x128xf32, #tpu.memory_space<hbm>>) target(%dma_start3A_244 : memref<128x128xf32, #tpu.memory_space<vmem>>) target_semaphore(%dma_start3A_240 : memref<!tpu.dma_semaphore, #tpu.memory_space<semaphore_mem>>)
      } else {
      }
    }
    %scan3A_104 = arith.constant 39 : i32
    %lt3A = arith.constant 4 : i32
    %lt3A_105 = arith.cmpi slt, %add3A, %lt3A : i32
    %convert_element_type3A = arith.extui %lt3A_105 : i1 to i32
    %cond3A = arith.constant 0 : i32
    %cond3A_106 = arith.cmpi ne, %convert_element_type3A, %cond3A : i32
    scf.if %cond3A_106 {
      %add3A_108 = arith.constant 2496 : i32
      %add3A_109 = arith.addi %add3A_108, %add3A : i32
      %mul3A_110 = arith.constant 128 : i32
      %mul3A_111 = arith.muli %add3A_109, %mul3A_110 : i32
      %multiple_of3A_112 = tpu.assume_multiple %mul3A_111, 128 : i32
      %run_scoped3A_113 = arith.constant 0 : i32
      %run_scoped3A_114 = arith.constant 0 : i32
      "tpu.region"() ({
        %run_scoped3A_121 = tpu.sem_alloc : memref<!tpu.dma_semaphore, #tpu.memory_space<semaphore_mem>>
        %dma_start3A_122 = arith.constant 0 : i32
        %dma_start3A_123 = tpu.memref_slice %arg5[%run_scoped3A_114, %dma_start3A_122] : memref<2x128xi32, #tpu.memory_space<vmem>> -> memref<1x128xi32, #tpu.memory_space<vmem>>
        %dma_start3A_124 = tpu.memref_squeeze %dma_start3A_123 : memref<1x128xi32, #tpu.memory_space<vmem>> -> memref<128xi32, #tpu.memory_space<vmem>>
        %dma_start3A_125 = tpu.memref_slice %arg3[%run_scoped3A_113, %multiple_of3A_112] : memref<2x320000xi32, #tpu.memory_space<hbm>> -> memref<1x128xi32, #tpu.memory_space<hbm>>
        %dma_start3A_126 = tpu.memref_squeeze %dma_start3A_125 : memref<1x128xi32, #tpu.memory_space<hbm>> -> memref<128xi32, #tpu.memory_space<hbm>>
        %dma_start3A_127 = arith.constant 0 : i32
        %dma_start3A_128 = tpu.memref_slice %arg5[%run_scoped3A_114, %dma_start3A_127] : memref<2x128xi32, #tpu.memory_space<vmem>> -> memref<1x128xi32, #tpu.memory_space<vmem>>
        %dma_start3A_129 = tpu.memref_squeeze %dma_start3A_128 : memref<1x128xi32, #tpu.memory_space<vmem>> -> memref<128xi32, #tpu.memory_space<vmem>>
        %dma_start3A_130 = tpu.memref_slice %arg3[%run_scoped3A_113, %multiple_of3A_112] : memref<2x320000xi32, #tpu.memory_space<hbm>> -> memref<1x128xi32, #tpu.memory_space<hbm>>
        %dma_start3A_131 = tpu.memref_squeeze %dma_start3A_130 : memref<1x128xi32, #tpu.memory_space<hbm>> -> memref<128xi32, #tpu.memory_space<hbm>>
        tpu.enqueue_dma source(%dma_start3A_131 : memref<128xi32, #tpu.memory_space<hbm>>) target(%dma_start3A_129 : memref<128xi32, #tpu.memory_space<vmem>>) target_semaphore(%run_scoped3A_121 : memref<!tpu.dma_semaphore, #tpu.memory_space<semaphore_mem>>)
        %dma_wait3A = arith.constant 0 : i32
        %dma_wait3A_132 = tpu.memref_slice %arg5[%run_scoped3A_114, %dma_wait3A] : memref<2x128xi32, #tpu.memory_space<vmem>> -> memref<1x128xi32, #tpu.memory_space<vmem>>
        %dma_wait3A_133 = tpu.memref_squeeze %dma_wait3A_132 : memref<1x128xi32, #tpu.memory_space<vmem>> -> memref<128xi32, #tpu.memory_space<vmem>>
        %dma_wait3A_134 = tpu.memref_slice %arg3[%run_scoped3A_113, %multiple_of3A_112] : memref<2x320000xi32, #tpu.memory_space<hbm>> -> memref<1x128xi32, #tpu.memory_space<hbm>>
        %dma_wait3A_135 = tpu.memref_squeeze %dma_wait3A_134 : memref<1x128xi32, #tpu.memory_space<hbm>> -> memref<128xi32, #tpu.memory_space<hbm>>
        %dma_wait3A_136 = arith.constant 0 : i32
        %dma_wait3A_137 = tpu.memref_slice %arg5[%run_scoped3A_114, %dma_wait3A_136] : memref<2x128xi32, #tpu.memory_space<vmem>> -> memref<1x128xi32, #tpu.memory_space<vmem>>
        %dma_wait3A_138 = tpu.memref_squeeze %dma_wait3A_137 : memref<1x128xi32, #tpu.memory_space<vmem>> -> memref<128xi32, #tpu.memory_space<vmem>>
        %dma_wait3A_139 = tpu.memref_slice %arg3[%run_scoped3A_113, %multiple_of3A_112] : memref<2x320000xi32, #tpu.memory_space<hbm>> -> memref<1x128xi32, #tpu.memory_space<hbm>>
        %dma_wait3A_140 = tpu.memref_squeeze %dma_wait3A_139 : memref<1x128xi32, #tpu.memory_space<hbm>> -> memref<128xi32, #tpu.memory_space<hbm>>
        tpu.wait_dma2 semaphore(%run_scoped3A_121 : memref<!tpu.dma_semaphore, #tpu.memory_space<semaphore_mem>>) src(%dma_wait3A_140 : memref<128xi32, #tpu.memory_space<hbm>>) dst(%dma_wait3A_138 : memref<128xi32, #tpu.memory_space<vmem>>)
        tpu.yield
      }) : () -> ()
      %mul3A_115 = arith.constant 128 : i32
      %mul3A_116 = arith.muli %add3A_109, %mul3A_115 : i32
      %multiple_of3A_117 = tpu.assume_multiple %mul3A_116, 128 : i32
      %run_scoped3A_118 = arith.constant 0 : i32
      "tpu.region"() ({
        %run_scoped3A_121 = tpu.sem_alloc : memref<!tpu.dma_semaphore, #tpu.memory_space<semaphore_mem>>
        %dma_start3A_122 = arith.constant 0 : i32
        %dma_start3A_123 = arith.constant 0 : i32
        %dma_start3A_124 = tpu.memref_slice %arg6[%run_scoped3A_118, %dma_start3A_122, %dma_start3A_123] : memref<2x128x128xf32, #tpu.memory_space<vmem>> -> memref<1x128x128xf32, #tpu.memory_space<vmem>>
        %dma_start3A_125 = tpu.memref_squeeze %dma_start3A_124 : memref<1x128x128xf32, #tpu.memory_space<vmem>> -> memref<128x128xf32, #tpu.memory_space<vmem>>
        %dma_start3A_126 = arith.constant 0 : i32
        %dma_start3A_127 = tpu.memref_slice %arg2[%multiple_of3A_117, %dma_start3A_126] : memref<320000x128xf32, #tpu.memory_space<hbm>> -> memref<128x128xf32, #tpu.memory_space<hbm>>
        %dma_start3A_128 = arith.constant 0 : i32
        %dma_start3A_129 = arith.constant 0 : i32
        %dma_start3A_130 = tpu.memref_slice %arg6[%run_scoped3A_118, %dma_start3A_128, %dma_start3A_129] : memref<2x128x128xf32, #tpu.memory_space<vmem>> -> memref<1x128x128xf32, #tpu.memory_space<vmem>>
        %dma_start3A_131 = tpu.memref_squeeze %dma_start3A_130 : memref<1x128x128xf32, #tpu.memory_space<vmem>> -> memref<128x128xf32, #tpu.memory_space<vmem>>
        %dma_start3A_132 = arith.constant 0 : i32
        %dma_start3A_133 = tpu.memref_slice %arg2[%multiple_of3A_117, %dma_start3A_132] : memref<320000x128xf32, #tpu.memory_space<hbm>> -> memref<128x128xf32, #tpu.memory_space<hbm>>
        tpu.enqueue_dma source(%dma_start3A_133 : memref<128x128xf32, #tpu.memory_space<hbm>>) target(%dma_start3A_131 : memref<128x128xf32, #tpu.memory_space<vmem>>) target_semaphore(%run_scoped3A_121 : memref<!tpu.dma_semaphore, #tpu.memory_space<semaphore_mem>>)
        %dma_wait3A = arith.constant 0 : i32
        %dma_wait3A_134 = arith.constant 0 : i32
        %dma_wait3A_135 = tpu.memref_slice %arg6[%run_scoped3A_118, %dma_wait3A, %dma_wait3A_134] : memref<2x128x128xf32, #tpu.memory_space<vmem>> -> memref<1x128x128xf32, #tpu.memory_space<vmem>>
        %dma_wait3A_136 = tpu.memref_squeeze %dma_wait3A_135 : memref<1x128x128xf32, #tpu.memory_space<vmem>> -> memref<128x128xf32, #tpu.memory_space<vmem>>
        %dma_wait3A_137 = arith.constant 0 : i32
        %dma_wait3A_138 = tpu.memref_slice %arg2[%multiple_of3A_117, %dma_wait3A_137] : memref<320000x128xf32, #tpu.memory_space<hbm>> -> memref<128x128xf32, #tpu.memory_space<hbm>>
        %dma_wait3A_139 = arith.constant 0 : i32
        %dma_wait3A_140 = arith.constant 0 : i32
        %dma_wait3A_141 = tpu.memref_slice %arg6[%run_scoped3A_118, %dma_wait3A_139, %dma_wait3A_140] : memref<2x128x128xf32, #tpu.memory_space<vmem>> -> memref<1x128x128xf32, #tpu.memory_space<vmem>>
        %dma_wait3A_142 = tpu.memref_squeeze %dma_wait3A_141 : memref<1x128x128xf32, #tpu.memory_space<vmem>> -> memref<128x128xf32, #tpu.memory_space<vmem>>
        %dma_wait3A_143 = arith.constant 0 : i32
        %dma_wait3A_144 = tpu.memref_slice %arg2[%multiple_of3A_117, %dma_wait3A_143] : memref<320000x128xf32, #tpu.memory_space<hbm>> -> memref<128x128xf32, #tpu.memory_space<hbm>>
        tpu.wait_dma2 semaphore(%run_scoped3A_121 : memref<!tpu.dma_semaphore, #tpu.memory_space<semaphore_mem>>) src(%dma_wait3A_144 : memref<128x128xf32, #tpu.memory_space<hbm>>) dst(%dma_wait3A_142 : memref<128x128xf32, #tpu.memory_space<vmem>>)
        tpu.yield
      }) : () -> ()
      %run_scoped3A_119 = arith.constant 0 : i32
      %run_scoped3A_120 = arith.constant 0 : i32
      "tpu.region"() ({
        %run_scoped3A_121 = tpu.sem_alloc : memref<!tpu.dma_semaphore, #tpu.memory_space<semaphore_mem>>
        %dma_start3A_122 = arith.constant 0 : i32
        %dma_start3A_123 = arith.constant 0 : i32
        %dma_start3A_124 = tpu.memref_slice %arg6[%run_scoped3A_119, %dma_start3A_122, %dma_start3A_123] : memref<2x128x128xf32, #tpu.memory_space<vmem>> -> memref<1x128x128xf32, #tpu.memory_space<vmem>>
        %dma_start3A_125 = tpu.memref_squeeze %dma_start3A_124 : memref<1x128x128xf32, #tpu.memory_space<vmem>> -> memref<128x128xf32, #tpu.memory_space<vmem>>
        %dma_start3A_126 = arith.constant 0 : i32
        %dma_start3A_127 = tpu.memref_slice %arg5[%run_scoped3A_120, %dma_start3A_126] : memref<2x128xi32, #tpu.memory_space<vmem>> -> memref<1x128xi32, #tpu.memory_space<vmem>>
        %dma_start3A_128 = tpu.memref_squeeze %dma_start3A_127 : memref<1x128xi32, #tpu.memory_space<vmem>> -> memref<128xi32, #tpu.memory_space<vmem>>
        %dma_start3A_129 = arith.constant 0 : i32
        %dma_start3A_130 = arith.constant 0 : i32
        %dma_start3A_131 = tpu.memref_slice %arg8[%dma_start3A_129, %dma_start3A_130] : memref<10112x128xf32, #tpu.memory_space<vmem_shared>> -> memref<10112x128xf32, #tpu.memory_space<vmem_shared>>
        tpu.enqueue_indirect_dma source(%dma_start3A_125 : memref<128x128xf32, #tpu.memory_space<vmem>>) target(%dma_start3A_131 : memref<10112x128xf32, #tpu.memory_space<vmem_shared>>) offsets(%dma_start3A_128 : memref<128xi32, #tpu.memory_space<vmem>>) semaphore(%run_scoped3A_121 : memref<!tpu.dma_semaphore, #tpu.memory_space<semaphore_mem>>) {add = true}
        %dma_wait3A = arith.constant 0 : i32
        %dma_wait3A_132 = arith.constant 0 : i32
        %dma_wait3A_133 = tpu.memref_slice %arg6[%run_scoped3A_119, %dma_wait3A, %dma_wait3A_132] : memref<2x128x128xf32, #tpu.memory_space<vmem>> -> memref<1x128x128xf32, #tpu.memory_space<vmem>>
        %dma_wait3A_134 = tpu.memref_squeeze %dma_wait3A_133 : memref<1x128x128xf32, #tpu.memory_space<vmem>> -> memref<128x128xf32, #tpu.memory_space<vmem>>
        %dma_wait3A_135 = arith.constant 0 : i32
        %dma_wait3A_136 = tpu.memref_slice %arg5[%run_scoped3A_120, %dma_wait3A_135] : memref<2x128xi32, #tpu.memory_space<vmem>> -> memref<1x128xi32, #tpu.memory_space<vmem>>
        %dma_wait3A_137 = tpu.memref_squeeze %dma_wait3A_136 : memref<1x128xi32, #tpu.memory_space<vmem>> -> memref<128xi32, #tpu.memory_space<vmem>>
        %dma_wait3A_138 = arith.constant 0 : i32
        %dma_wait3A_139 = arith.constant 0 : i32
        %dma_wait3A_140 = tpu.memref_slice %arg8[%dma_wait3A_138, %dma_wait3A_139] : memref<10112x128xf32, #tpu.memory_space<vmem_shared>> -> memref<10112x128xf32, #tpu.memory_space<vmem_shared>>
        tpu.wait_indirect_dma semaphore(%run_scoped3A_121 : memref<!tpu.dma_semaphore, #tpu.memory_space<semaphore_mem>>) src(%dma_wait3A_134 : memref<128x128xf32, #tpu.memory_space<vmem>>) dst(%dma_wait3A_140 : memref<10112x128xf32, #tpu.memory_space<vmem_shared>>)
        tpu.yield
      }) : () -> ()
    } else {
    }
    %barrier3A_107 = arith.constant 0 : index
    tpu.barrier barrier_id(%barrier3A_107)
    "tpu.region"() ({
      %run_scoped3A_108 = tpu.sem_alloc : memref<!tpu.dma_semaphore, #tpu.memory_space<semaphore_mem>>
      %dma_start3A_109 = arith.constant 0 : i32
      %dma_start3A_110 = tpu.memref_slice %arg4[%arg0, %mul3A_2, %dma_start3A_109] : memref<2x10112x128xf32, #tpu.memory_space<hbm>> -> memref<1x632x128xf32, #tpu.memory_space<hbm>>
      %dma_start3A_111 = tpu.memref_squeeze %dma_start3A_110 : memref<1x632x128xf32, #tpu.memory_space<hbm>> -> memref<632x128xf32, #tpu.memory_space<hbm>>
      %dma_start3A_112 = arith.constant 0 : i32
      %dma_start3A_113 = tpu.memref_slice %arg8[%mul3A_2, %dma_start3A_112] : memref<10112x128xf32, #tpu.memory_space<vmem_shared>> -> memref<632x128xf32, #tpu.memory_space<vmem_shared>>
      tpu.enqueue_dma source(%dma_start3A_113 : memref<632x128xf32, #tpu.memory_space<vmem_shared>>) target(%dma_start3A_111 : memref<632x128xf32, #tpu.memory_space<hbm>>) target_semaphore(%run_scoped3A_108 : memref<!tpu.dma_semaphore, #tpu.memory_space<semaphore_mem>>)
      %dma_wait3A = arith.constant 0 : i32
      %dma_wait3A_114 = tpu.memref_slice %arg4[%arg0, %mul3A_2, %dma_wait3A] : memref<2x10112x128xf32, #tpu.memory_space<hbm>> -> memref<1x632x128xf32, #tpu.memory_space<hbm>>
      %dma_wait3A_115 = tpu.memref_squeeze %dma_wait3A_114 : memref<1x632x128xf32, #tpu.memory_space<hbm>> -> memref<632x128xf32, #tpu.memory_space<hbm>>
      %dma_wait3A_116 = arith.constant 0 : i32
      %dma_wait3A_117 = tpu.memref_slice %arg8[%mul3A_2, %dma_wait3A_116] : memref<10112x128xf32, #tpu.memory_space<vmem_shared>> -> memref<632x128xf32, #tpu.memory_space<vmem_shared>>
      tpu.wait_dma2 semaphore(%run_scoped3A_108 : memref<!tpu.dma_semaphore, #tpu.memory_space<semaphore_mem>>) src(%dma_wait3A_117 : memref<632x128xf32, #tpu.memory_space<vmem_shared>>) dst(%dma_wait3A_115 : memref<632x128xf32, #tpu.memory_space<hbm>>)
      tpu.yield
    }) : () -> ()
    return
  }
}

module attributes {stable_mosaic.version = 14 : i64} {
  func.func @_edge_gate_body(%arg0: i32, %arg1: memref<16x12800xf32, #tpu.memory_space<vmem>>, %arg2: memref<16x128xf32, #tpu.memory_space<vmem>>, %arg3: memref<1x128xf32, #tpu.memory_space<vmem>>, %arg4: memref<12800x128xf32, #tpu.memory_space<vmem>>) attributes {dimension_semantics = [#tpu.dimension_semantics<arbitrary>], iteration_bounds = array<i64: 25>, scalar_prefetch = 0 : i64, scratch_operands = 0 : i64, tpu.core_type = #tpu.core_type<tc>, window_params = [{transform_indices = @transform_0, window_bounds = array<i64: 16, 12800>}, {pipeline_mode = #tpu.pipeline_mode<synchronous>, transform_indices = @transform_1, window_bounds = array<i64: 16, 128>}, {pipeline_mode = #tpu.pipeline_mode<synchronous>, transform_indices = @transform_2, window_bounds = array<i64: 1, 128>}, {transform_indices = @transform_3, window_bounds = array<i64: 12800, 128>}]} {
    %get3A = arith.constant 0 : index
    %get3A_0 = arith.constant 0 : index
    %get3A_1 = vector.load %arg1[%get3A, %get3A_0] : memref<16x12800xf32, #tpu.memory_space<vmem>>, vector<16x12800xf32>
    %get3A_2 = arith.constant 0 : index
    %get3A_3 = arith.constant 0 : index
    %get3A_4 = vector.load %arg2[%get3A_2, %get3A_3] : memref<16x128xf32, #tpu.memory_space<vmem>>, vector<16x128xf32>
    %dot_general3A = arith.constant dense<0.000000e+00> : vector<12800x128xf32>
    %dot_general3A_5 = tpu.matmul %get3A_1, %get3A_4, %dot_general3A {dimension_numbers = #tpu.dot_dimension_numbers<[0], [0], [1], [1], [0, 1, 1, 1], [], []>, transpose_lhs_hint = false} : vector<16x12800xf32>, vector<16x128xf32>, vector<12800x128xf32> -> vector<12800x128xf32>
    %get3A_6 = arith.constant 0 : index
    %get3A_7 = arith.constant 0 : index
    %get3A_8 = vector.load %arg3[%get3A_6, %get3A_7] : memref<1x128xf32, #tpu.memory_space<vmem>>, vector<1x128xf32>
    %add3A = vector.broadcast %get3A_8 : vector<1x128xf32> to vector<12800x128xf32>
    %add3A_9 = arith.addf %dot_general3A_5, %add3A : vector<12800x128xf32>
    %logistic3A = arith.negf %add3A_9 : vector<12800x128xf32>
    %logistic3A_10 = math.exp %logistic3A : vector<12800x128xf32>
    %logistic3A_11 = arith.constant 1.000000e+00 : f32
    %logistic3A_12 = vector.broadcast %logistic3A_11 : f32 to vector<12800x128xf32>
    %logistic3A_13 = arith.addf %logistic3A_12, %logistic3A_10 : vector<12800x128xf32>
    %logistic3A_14 = arith.divf %logistic3A_12, %logistic3A_13 : vector<12800x128xf32>
    %mul3A = arith.mulf %add3A_9, %logistic3A_14 : vector<12800x128xf32>
    %swap3A = arith.constant 0 : index
    %swap3A_15 = arith.constant 0 : index
    %swap3A_16 = vector.load %arg4[%swap3A, %swap3A_15] : memref<12800x128xf32, #tpu.memory_space<vmem>>, vector<12800x128xf32>
    tpu.vector_store %arg4[%swap3A, %swap3A_15], %mul3A {strides = array<i32>} : memref<12800x128xf32, #tpu.memory_space<vmem>>, vector<12800x128xf32>,
    return
  }
  func.func @transform_0(%arg0: i32) -> (i32, i32) {
    %add3A = arith.constant 0 : i32
    %add3A_0 = arith.addi %arg0, %add3A : i32
    %c0_i32 = arith.constant 0 : i32
    %c0_i32_1 = arith.constant 0 : i32
    return %c0_i32, %add3A_0 : i32, i32
  }
  func.func @transform_1(%arg0: i32) -> (i32, i32) {
    %c0_i32 = arith.constant 0 : i32
    %c0_i32_0 = arith.constant 0 : i32
    %c0_i32_1 = arith.constant 0 : i32
    return %c0_i32, %c0_i32_0 : i32, i32
  }
  func.func @transform_2(%arg0: i32) -> (i32, i32) {
    %c0_i32 = arith.constant 0 : i32
    %c0_i32_0 = arith.constant 0 : i32
    %c0_i32_1 = arith.constant 0 : i32
    return %c0_i32, %c0_i32_0 : i32, i32
  }
  func.func @transform_3(%arg0: i32) -> (i32, i32) {
    %c0_i32 = arith.constant 0 : i32
    %c0_i32_0 = arith.constant 0 : i32
    return %arg0, %c0_i32 : i32, i32
  }
}

module attributes {stable_mosaic.version = 14 : i64} {
  func.func @_bn_body(%arg0: memref<10000x128xf32, #tpu.memory_space<vmem>>, %arg1: memref<128x128xf32, #tpu.memory_space<vmem>>, %arg2: memref<2x10112x128xf32, #tpu.memory_space<vmem>>, %arg3: memref<1x128xf32, #tpu.memory_space<vmem>>, %arg4: memref<1x128xf32, #tpu.memory_space<vmem>>, %arg5: memref<10000x128xf32, #tpu.memory_space<vmem>>) attributes {dimension_semantics = [], scalar_prefetch = 0 : i64, scratch_operands = 0 : i64, tpu.core_type = #tpu.core_type<tc>} {
    %get3A = arith.constant 0 : index
    %get3A_0 = arith.constant 0 : index
    %get3A_1 = vector.load %arg0[%get3A, %get3A_0] : memref<10000x128xf32, #tpu.memory_space<vmem>>, vector<10000x128xf32>
    %get3A_2 = arith.constant 0 : index
    %get3A_3 = arith.constant 0 : index
    %get3A_4 = vector.load %arg1[%get3A_2, %get3A_3] : memref<128x128xf32, #tpu.memory_space<vmem>>, vector<128x128xf32>
    %dot_general3A = arith.constant dense<0.000000e+00> : vector<10000x128xf32>
    %dot_general3A_5 = tpu.matmul %get3A_1, %get3A_4, %dot_general3A {dimension_numbers = #tpu.dot_dimension_numbers<[1], [0], [0], [1], [0, 0, 1, 1], [], []>, transpose_lhs_hint = false} : vector<10000x128xf32>, vector<128x128xf32>, vector<10000x128xf32> -> vector<10000x128xf32>
    %get3A_6 = arith.constant 0 : index
    %get3A_7 = arith.constant 0 : index
    %get3A_8 = arith.constant 0 : index
    %get3A_9 = vector.load %arg2[%get3A_6, %get3A_7, %get3A_8] : memref<2x10112x128xf32, #tpu.memory_space<vmem>>, vector<1x10000x128xf32>
    %get3A_10 = vector.shape_cast %get3A_9 : vector<1x10000x128xf32> to vector<10000x128xf32>
    %get3A_11 = arith.constant 1 : index
    %get3A_12 = arith.constant 0 : index
    %get3A_13 = arith.constant 0 : index
    %get3A_14 = vector.load %arg2[%get3A_11, %get3A_12, %get3A_13] : memref<2x10112x128xf32, #tpu.memory_space<vmem>>, vector<1x10000x128xf32>
    %get3A_15 = vector.shape_cast %get3A_14 : vector<1x10000x128xf32> to vector<10000x128xf32>
    %add3A = arith.addf %get3A_10, %get3A_15 : vector<10000x128xf32>
    %mul3A = arith.mulf %dot_general3A_5, %add3A : vector<10000x128xf32>
    %reduce_sum3A = arith.constant dense<0.000000e+00> : vector<128xf32>
    %reduce_sum3A_16 = vector.multi_reduction <add>, %mul3A, %reduce_sum3A [0] : vector<10000x128xf32> to vector<128xf32>
    %broadcast_in_dim3A = vector.shape_cast %reduce_sum3A_16 : vector<128xf32> to vector<1x128xf32>
    %div3A = arith.constant 1.000000e+04 : f32
    %div3A_17 = vector.broadcast %div3A : f32 to vector<1x128xf32>
    %div3A_18 = arith.divf %broadcast_in_dim3A, %div3A_17 : vector<1x128xf32>
    %mul3A_19 = arith.mulf %mul3A, %mul3A : vector<10000x128xf32>
    %reduce_sum3A_20 = arith.constant dense<0.000000e+00> : vector<128xf32>
    %reduce_sum3A_21 = vector.multi_reduction <add>, %mul3A_19, %reduce_sum3A_20 [0] : vector<10000x128xf32> to vector<128xf32>
    %broadcast_in_dim3A_22 = vector.shape_cast %reduce_sum3A_21 : vector<128xf32> to vector<1x128xf32>
    %div3A_23 = arith.constant 1.000000e+04 : f32
    %div3A_24 = vector.broadcast %div3A_23 : f32 to vector<1x128xf32>
    %div3A_25 = arith.divf %broadcast_in_dim3A_22, %div3A_24 : vector<1x128xf32>
    %mul3A_26 = arith.mulf %div3A_18, %div3A_18 : vector<1x128xf32>
    %sub3A = arith.subf %div3A_25, %mul3A_26 : vector<1x128xf32>
    %add3A_27 = arith.constant 9.99999974E-6 : f32
    %add3A_28 = vector.broadcast %add3A_27 : f32 to vector<1x128xf32>
    %add3A_29 = arith.addf %sub3A, %add3A_28 : vector<1x128xf32>
    %rsqrt3A = math.rsqrt %add3A_29 : vector<1x128xf32>
    %sub3A_30 = vector.broadcast %div3A_18 : vector<1x128xf32> to vector<10000x128xf32>
    %sub3A_31 = arith.subf %mul3A, %sub3A_30 : vector<10000x128xf32>
    %mul3A_32 = vector.broadcast %rsqrt3A : vector<1x128xf32> to vector<10000x128xf32>
    %mul3A_33 = arith.mulf %sub3A_31, %mul3A_32 : vector<10000x128xf32>
    %get3A_34 = arith.constant 0 : index
    %get3A_35 = arith.constant 0 : index
    %get3A_36 = vector.load %arg3[%get3A_34, %get3A_35] : memref<1x128xf32, #tpu.memory_space<vmem>>, vector<1x128xf32>
    %mul3A_37 = vector.broadcast %get3A_36 : vector<1x128xf32> to vector<10000x128xf32>
    %mul3A_38 = arith.mulf %mul3A_33, %mul3A_37 : vector<10000x128xf32>
    %get3A_39 = arith.constant 0 : index
    %get3A_40 = arith.constant 0 : index
    %get3A_41 = vector.load %arg4[%get3A_39, %get3A_40] : memref<1x128xf32, #tpu.memory_space<vmem>>, vector<1x128xf32>
    %add3A_42 = vector.broadcast %get3A_41 : vector<1x128xf32> to vector<10000x128xf32>
    %add3A_43 = arith.addf %mul3A_38, %add3A_42 : vector<10000x128xf32>
    %get3A_44 = arith.constant 0 : index
    %get3A_45 = arith.constant 0 : index
    %get3A_46 = vector.load %arg0[%get3A_44, %get3A_45] : memref<10000x128xf32, #tpu.memory_space<vmem>>, vector<10000x128xf32>
    %add3A_47 = arith.addf %add3A_43, %get3A_46 : vector<10000x128xf32>
    %swap3A = arith.constant 0 : index
    %swap3A_48 = arith.constant 0 : index
    %swap3A_49 = vector.load %arg5[%swap3A, %swap3A_48] : memref<10000x128xf32, #tpu.memory_space<vmem>>, vector<10000x128xf32>
    tpu.vector_store %arg5[%swap3A, %swap3A_48], %add3A_47 {strides = array<i32>} : memref<10000x128xf32, #tpu.memory_space<vmem>>, vector<10000x128xf32>,
    return
  }
}

</mosaic_0001>

<sc_bundles>
// kernel: kernel.5.cloned.1.call-start
scs
__scs_entry_jumppad:
0x0: {  	(pc) =	sbr.rel $0x88, $3  }
0x1: {  	(tag) =	ssettag $0x0;
	lr =	simm.s32 $0x1  }
0x2: {  	[smem:$0x3F99] =	sst lr;
	_ =	strace $0xD0000000  }
0x3: {  	_ = 	snop  }
0x4: {  	_ = 	snop  }
0x5: {  	_ = 	snop  }
0x6: {  	_ = 	snop  }
0x7: {  	_ = 	snop  }
__scs_overlays_trampoline_lowered:
0x8: {  	[smem:$0x3FA8] =	sst s0  }
0x9: {  	[smem:$0x3FA9] =	sst s1  }
0xa: {  	[smem:$0x3FAA] =	sst s2  }
0xb: {  	[smem:$0x3FAB] =	sst s3  }
0xc: {  	[smem:$0x3FAC] =	sst s4  }
0xd: {  	[smem:$0x3FAD] =	sst s5  }
0xe: {  	[smem:$0x3FAE] =	sst s6  }
0xf: {  	[smem:$0x3FAF] =	sst s7  }
0x10: {  	[smem:$0x3FB0] =	sst s8  }
0x11: {  	[smem:$0x3FB1] =	sst s9;
	s0 =	simm.s32 @!p0 $0x0  }
0x12: {  	s1 =	sld [smem:$0x3F97];
	s0 =	simm.s32 @p0 $0x1  }
0x13: {  	[smem:$0x3FB2] =	sst s0;
	s0 =	simm.s32 @!p1 $0x0  }
0x14: {  	s2 =	sld [smem:$0x3F96];
	s0 =	simm.s32 @p1 $0x1  }
0x15: {  	[smem:$0x3FB3] =	sst s0;
	s0 =	simm.s32 @!p2 $0x0  }
0x16: {  	s3 =	sld [smem:$0x3FDB];
	s0 =	simm.s32 @p2 $0x1  }
0x17: {  	s4 =	simm.s32 $0x1BF5;
	[smem:$0x3FB5] =	sst s0  }
0x18: {  	s0 =	sld [smem:$0x3F98];
	_ =	swait.ge [sflag:s4], $0x0  }
0x19: {  	s7 =	sld [smem:$0x3F99]  }
0x1a: {  	s8 =	sadd.s32 $0xFFFFE003, lr  }
0x1b: {  	s9 =	sadd.s32 $0xFFFFFEF7, lr;
	s5 =	simm.s32 $0xFFFFFFFF;
	p2 =	slt.u32 s8, $0xFFFFF086  }
0x1c: {  	p1 =	slt.u32 s9, $0xF7A;
	s5 =	simm.s32 @!p2 $0x0  }
0x1d: {  	s5 =	simm.s32 @p1 $0x1;
	p0 =	seq.s32 s7, s2  }
0x1e: {  	s7 =	smul.u32 @!p0 $0xF7A, s2;
	p2 =	seq.s32 @!p0 s5, $0x0  }
0x1f: {  	s9 =	smul.u32 $0xF7A, s1;
	s8 =	simm.s32 @!p0 $0x1BF5;
	p2 =	por !p2, p0  }
0x20: {  	[sflag:s8] =	ssyncset.s32 @!p0 $0xFFFFF086;
	s6 =	sadd.s32 @!p0 s3, s7;
	s7 =	simm.s32 @!p0 $0x108  }
0x21: {  	s3 =	sadd.s32 s3, s9;
	s6 =	sadd.s32 @!p0 $0x88, s6;
	s7 =	simm.s32 @p2 $0x1082  }
0x22: {  	[simem:s7], [sflag:s8] =	dma.local @!p0 [hbm:s6], $0xF7A  }
0x23: {  	s9 =	sor.u32 $0xD0000000, s2;
	s6 =	simm.s32 $0x108;
	_ =	swait.ge @!p0 [sflag:s8], $0x0  }
0x24: {  	s3 =	sadd.s32 $0x88, s3;
	s6 =	simm.s32 @!p1 $0x1082;
	[sflag:s4] =	ssyncset.s32 $0xFFFFF086  }
0x25: {  	[simem:s6], [sflag:s4] =	dma.local [hbm:s3], $0xF7A  }
0x26: {  	[smem:$0x3F99] =	sst s1;
	(tag) =	ssettag s2;
	_ =	strace s9  }
0x27: {  	s1 =	sld [smem:$0x3FA9]  }
0x28: {  	s2 =	sld [smem:$0x3FAA]  }
0x29: {  	s4 =	sld [smem:$0x3FAC]  }
0x2a: {  	p0 =	seq.s32 s5, $0x0;
	s5 =	sld [smem:$0x3FAD]  }
0x2b: {  	s6 =	sld [smem:$0x3FAE]  }
0x2c: {  	s7 =	sld [smem:$0x3FAF]  }
0x2d: {  	s3 =	simm.s32 $0x108;
	s8 =	sld [smem:$0x3FB0]  }
0x2e: {  	s3 =	simm.s32 @!p0 $0x1082;
	s9 =	sld [smem:$0x3FB1]  }
0x2f: {  	lr =	sadd.s32 s0, s3;
	s0 =	sld [smem:$0x3FA8]  }
0x30: {  	s3 =	sld [smem:$0x3FAB]  }
0x31: {  	[smem:$0x3FB4] =	sst s10  }
0x32: {  	s10 =	sld [smem:$0x3FB2];
	_ =	sdelay $0x3  }
0x33: {  	p0 =	seq.s32 s10, $0x1;
	s10 =	sld [smem:$0x3FB4];
	_ =	sdelay $0x3  }
0x34: {  	[smem:$0x3FB4] =	sst s10  }
0x35: {  	s10 =	sld [smem:$0x3FB3];
	_ =	sdelay $0x3  }
0x36: {  	p1 =	seq.s32 s10, $0x1;
	s10 =	sld [smem:$0x3FB4];
	_ =	sdelay $0x3  }
0x37: {  	[smem:$0x3FB4] =	sst s10  }
0x38: {  	s10 =	sld [smem:$0x3FB5]  }
0x39: {  	_ = 	snop;
	(pc) =	sbr.ind lr, $3  }
0x3a: {  	_ = 	snop  }
0x3b: {  	_ = 	snop  }
0x3c: {  	p2 =	seq.s32 s10, $0x1;
	s10 =	sld [smem:$0x3FB4]  }
0x3d: {  	_ =	shalt  }
0x3e: {  	_ =	shalt  }
0x3f: {  	_ =	shalt  }
0x40: {  	_ =	shalt  }
0x41: {  	_ =	shalt  }
0x42: {  	_ =	shalt  }
0x43: {  	_ =	shalt  }
0x44: {  	_ =	shalt  }
0x45: {  	_ =	shalt  }
0x46: {  	_ =	shalt  }
0x47: {  	_ =	shalt  }
0x48: {  	_ =	shalt  }
0x49: {  	_ =	shalt  }
0x4a: {  	_ =	shalt  }
0x4b: {  	_ =	shalt  }
0x4c: {  	_ =	shalt  }
0x4d: {  	_ =	shalt  }
0x4e: {  	_ =	shalt  }
0x4f: {  	_ =	shalt  }
0x50: {  	_ =	shalt  }
0x51: {  	_ =	shalt  }
0x52: {  	_ =	shalt  }
0x53: {  	_ =	shalt  }
0x54: {  	_ =	shalt  }
0x55: {  	_ =	shalt  }
0x56: {  	_ =	shalt  }
0x57: {  	_ =	shalt  }
0x58: {  	_ =	shalt  }
0x59: {  	_ =	shalt  }
0x5a: {  	_ =	shalt  }
0x5b: {  	_ =	shalt  }
0x5c: {  	_ =	shalt  }
0x5d: {  	_ =	shalt  }
0x5e: {  	_ =	shalt  }
0x5f: {  	_ =	shalt  }
0x60: {  	_ =	shalt  }
0x61: {  	_ =	shalt  }
0x62: {  	_ =	shalt  }
0x63: {  	_ =	shalt  }
0x64: {  	_ =	shalt  }
0x65: {  	_ =	shalt  }
0x66: {  	_ =	shalt  }
0x67: {  	_ =	shalt  }
0x68: {  	_ =	shalt  }
0x69: {  	_ =	shalt  }
0x6a: {  	_ =	shalt  }
0x6b: {  	_ =	shalt  }
0x6c: {  	_ =	shalt  }
0x6d: {  	_ =	shalt  }
0x6e: {  	_ =	shalt  }
0x6f: {  	_ =	shalt  }
0x70: {  	_ =	shalt  }
0x71: {  	_ =	shalt  }
0x72: {  	_ =	shalt  }
0x73: {  	_ =	shalt  }
0x74: {  	_ =	shalt  }
0x75: {  	_ =	shalt  }
0x76: {  	_ =	shalt  }
0x77: {  	_ =	shalt  }
0x78: {  	_ =	shalt  }
0x79: {  	_ =	shalt  }
0x7a: {  	_ =	shalt  }
0x7b: {  	_ =	shalt  }
0x7c: {  	_ =	shalt  }
0x7d: {  	_ =	shalt  }
0x7e: {  	_ =	shalt  }
0x7f: {  	_ =	shalt  }
0x80: {  	_ =	shalt  }
0x81: {  	_ =	shalt  }
0x82: {  	_ =	shalt  }
0x83: {  	_ =	shalt  }
0x84: {  	_ =	shalt  }
0x85: {  	_ =	shalt  }
0x86: {  	_ =	shalt  }
0x87: {  	_ =	shalt  }
.Lfunc_end0:
.L_simem_size_0:
called_computation_lowered:
.L_overlay_start_0:
0x88: {  	s2 =	sld [smem:$0x3FD9]  }
0x89: {  	s3 =	sld [smem:$0x3FFE];
	_ =	sdelay $0x1  }
0x8a: {  	s1 =	srdreg.scid  }
0x8b: {  	s0 =	sand.u32 $0x1, s1  }
0x8c: {  	s17 =	sshll.u32 s0, $0xA;
	s2 =	sadd.s32 s3, s2  }
0x8d: {  	s2 =	sadd.s32 s2, s17  }
0x8e: {  	[smem:$0x3FC0] =	sst s2  }
0x8f: {  	_ = 	snop  }
0x90: {  	s2 =	sld [smem:$0x3FC8];
	(tm) =	ssettm $0x1  }
0x91: {  	s18 =	sld [smem:$0x3FFB];
	_ =	sdelay $0x3  }
0x92: {  	_ =	strace s18  }
0x93: {  	s3 =	sld [smem:$0x3FFC];
	_ =	sdelay $0x3  }
0x94: {  	_ =	strace s3  }
0x95: {  	s3 =	sld [smem:$0x3FFD];
	_ =	sdelay $0x3  }
0x96: {  	_ =	strace s3  }
0x97: {  	_ =	strace $0x8FFFFFFF  }
0x98: {  	s19 =	sld [smem:$0x3FDB];
	_ =	sdelay $0x1  }
0x99: {  	s4 =	simm.s32 $_scs_section_size  }
0x9a: {  	s5 =	simm.s32 $_size__tile_overlayer_lowered;
	s6 =	simm.s32 $_tile_overlayer_lowered  }
0x9b: {  	s22 =	simm.s32 $0x1BFF;
	s21 =	sshll.u32 s6, $0x1;
	s3 =	sadd.s32 s4, s19  }
0x9c: {  	s7 =	simm.s32 $0x0;
	s20 =	sshll.u32 s5, $0x1;
	s5 =	sadd.s32 s21, s3  }
0x9d: {  	[timem:s7], [sflag:s22] =	dma.local [hbm:s5], s20  }
0x9e: {  	_ =	swait.ge [sflag:s22], s20  }
0x9f: {  	s4 =	ssub.s32 $0x0, s20;
	[sflag:s22] =	ssyncset.done $0x0  }
0xa0: {  	[sflag:s22] =	ssyncadd.s32 s4;
	_ =	sdelay $0x1  }
0xa1: {  	s23 =	simm.s32 $0x1B8B  }
0xa2: {  	_ =	swait.ge [sflag:s23], $0x1  }
0xa3: {  	[sflag:s23] =	ssyncset.done $0x0  }
0xa4: {  	s25 =	simm.s32 $0x1B8E;
	s24 =	sld [smem:$0x3FFE];
	[sflag:s23] =	ssyncadd.s32 $0xFFFFFFFF  }
0xa5: {  	s26 =	simm.s32 $execute0_lowered;
	[smem:$0x3FD2] =	sst s25  }
0xa6: {  	s5 =	sshll.u32 s26, $0x1;
	_ =	strace $0x80000046;
	[dreg:$0x1] =	wrdreg $0xFFFFFFFF  }
0xa7: {  	s28 =	simm.s32 $_size_execute0_lowered;
	s3 =	sadd.s32 s3, s5;
	[dreg:$0x0] =	wrdreg $0x0  }
0xa8: {  	s5 =	sshll.u32 s28, $0x1;
	[dreg:$0x2] =	wrdreg s3  }
0xa9: {  	[dreg:$0x3] =	wrdreg s5  }
0xaa: {  	[dreg:$0x4] =	wrdreg $0xC0  }
0xab: {  	_ =	task [dreg:s7], $0x5FFFF  }
0xac: {  	[dreg:$0x1] =	wrdreg $0xFFFFFFFF  }
0xad: {  	[dreg:$0x0] =	wrdreg $0x60  }
0xae: {  	[dreg:$0x2] =	wrdreg s24  }
0xaf: {  	[dreg:$0x3] =	wrdreg s2  }
0xb0: {  	[dreg:$0x4] =	wrdreg $0x81000  }
0xb1: {  	[dreg:$0x5] =	wrdreg $0x9  }
0xb2: {  	_ =	task.clear_ibuf [dreg:s7], $0x6FFFF;
	_ =	strace $0x90000046  }
0xb3: {  	s29 =	simm.s32 $0x9;
	_ =	strace $0x80000048  }
0xb4: {  	_ =	swait.ge [sflag:s29], $0x1  }
0xb5: {  	[sflag:s29] =	ssyncadd.s32 $0xFFFFFFFF  }
0xb6: {  	_ =	strace $0x90000048  }
0xb7: {  	_ =	sfence  }
0xb8: {  	s30 =	sld [smem:$0x0];
	_ =	sdelay $0x2  }
0xb9: {  	s31 =	sshll.u32 s1, $0xD;
	s1 =	sshrl.u32 s1, $0x2  }
0xba: {  	s3 =	sand.u32 $0x4000, s31;
	s1 =	sadd.s32 s1, s30  }
0xbb: {  	s0 =	sor.u32 s3, s0;
	s1 =	sshll.u32 s1, $0x11  }
0xbc: {  	s0 =	sor.u32 s1, s0  }
0xbd: {  	s0 =	sadd.s32 $0x8F2B, s0  }
0xbe: {  	[sflag:s0] =	ssyncadd.remote.s32 $0x1  }
0xbf: {  	_ =	sfence.sel $0xFFFF  }
0xc0: {  	[dreg:$0x0] =	wrdreg $0xFFFFFFFF;
	(pc) =	sbr.abs _section_cstart, $3  }
0xc1: {  	[dreg:$0x1] =	wrdreg $0xFFFFFFFF  }
0xc2: {  	_ =	task.clear_ibuf [dreg:s7], $0x2FFFF;
	_ =	strace $0x9FFFFFFF  }
0xc3: {  	(tm) =	ssettm $0x7FFFFFFF  }
tec
execute0_lowered:
.L_overlay_start_1:
0x0: {  	(tag) =	ssettag $0x1  }
0x1: {  	s1 =	rddreg [dreg:$0x0]  }
0x2: {  	s0 =	srdreg.scid;
	s16 =	stileid.u32  }
0x3: {  	s2 =	rddreg [dreg:$0x1];
	s6 =	smul.u32 $0x13C00, s16  }
0x4: {  	s3 =	rddreg [dreg:$0x2];
	s14 =	sand.u32 $0x1, s0;
	s21 =	smul.u32 $0x4F000, s16  }
0x5: {  	s4 =	simm.s32 $0x0;
	s28 =	simm.s32 $0x0;
	s5 =	smul.u32 $0x13C000, s14  }
0x6: {  	[smem:$0x7FF] =	sst s4;
	s17 =	sadd.s32 $0x1400, s1;
	s19 =	smul.u32 $0x270000, s14  }
0x7: {  	s15 =	sshll.u32 s16, $0x7;
	_ =	strace $0x80000047;
	s20 =	smul.u32 $0x27000, s14  }
0x8: {  	s22 =	sshll.u32 s14, $0x4;
	s23 =	sshrl.u32 s21, $0x2;
	s21 =	smul.u32 $0x2700, s16  }
0x9: {  	s7 =	ssub.s32 $0x2, s14;
	s25 =	sor.u32 s16, s22;
	s22 =	smul.u32 $0x27000, s16  }
0xa: {  	s15 =	sor.u32 $0x4E000, s15;
	s24 =	sshrl.u32 s7, $0x1;
	s8 =	smul.u32 $0x2700, s25  }
0xb: {  	s26 =	sshrl.u32 s15, $0x2;
	s15 =	sshll.u32 s15, $0x4;
	s10 =	smul.u32 $0x9C0, s25  }
0xc: {  	s5 =	sadd.s32 s6, s5;
	s18 =	ssub.s32 s7, s24;
	s11 =	smul.u32 $0x27000, s25  }
0xd: {  	s14 =	sadd.s32 s2, s26;
	s15 =	sadd.s32 s17, s15;
	s29 =	sadd.s32 s19, s17  }
0xe: {  	s24 =	simm.s32 $0x4100;
	p0 =	sgt.u32 s25, $0x3;
	s25 =	simm.s32 $0x1  }
0xf: {  	s26 =	simm.s32 $0x2;
	s5 =	sshrl.u32 s5, $0x3;
	s30 =	sadd.s32 s21, s20  }
0x10: {  	s21 =	simm.s32 $0x100;
	s1 =	sadd.s32 s5, s1;
	s5 =	sadd.s32 s23, s3  }
0x11: {  	s13 =	sor.u32 $0x80, s8;
	s10 =	sadd.s32 s2, s10;
	s11 =	sadd.s32 s17, s11  }
0x12: {  	s20 =	sadd.s32 $0x180, s30;
	s19 =	sadd.s32 $0x100, s30;
	s23 =	simm.s32 $0x80  }
0x13: {  	s6 =	sadd.s32 $0x4000, s5;
	s7 =	sadd.s32 $0x8000, s5;
	s8 =	sadd.s32 $0xC000, s5  }
0x14: {  	s9 =	sadd.s32 $0x10000, s5;
	s12 =	sshrl.u32 s13, $0x2;
	s13 =	sshll.u32 s13, $0x4  }
0x15: {  	s16 =	sadd.s32 $0x4E3400, s1;
	s1 =	sadd.s32 s22, s29;
	s31 =	sshrl.u32 s20, $0x2  }
0x16: {  	s22 =	simm.s32 $0x3;
	s12 =	sadd.s32 s2, s12;
	s13 =	sadd.s32 s17, s13  }
0x17: {  	v0 =	vimm.f32 $0.0e+00;
	s17 =	smax.u32 s18, $0x1;
	s18 =	sadd.s32 $0x1000, s1;
	s20 =	sadd.s32 s31, s2  }
.LBB2_1:
0x18: {  	s29 =	simm.s32 $0x0;
	s30 =	simm.s32 $0x200  }
.LBB2_2:
0x19: {  	p1 =	sne.s32 s30, $0xFE00;
	[tilespmem:s29+$0x170] =	vst v0  }
0x1a: {  	[tilespmem:s29+$0x100] =	vst v0  }
0x1b: {  	[tilespmem:s29+$0x110] =	vst v0  }
.Ltmp0:
0x1c: {  	[tilespmem:s29+$0x120] =	vst v0;
	(pc) =	sbr.rel @p1 .LBB2_2-.Ltmp0, $4  }
0x1d: {  	[tilespmem:s29+$0x130] =	vst v0  }
0x1e: {  	[tilespmem:s29+$0x140] =	vst v0  }
0x1f: {  	[tilespmem:s29+$0x150] =	vst v0  }
0x20: {  	[tilespmem:s29+$0x160] =	vst v0;
	s29 =	sshra.s32 s30, $0x2;
	s30 =	sadd.s32 $0x200, s30  }
0x21: {  	[tilespmem:s29+$0x170] =	vst v0  }
0x22: {  	[tilespmem:s29+$0x100] =	vst v0  }
0x23: {  	[tilespmem:s29+$0x110] =	vst v0  }
0x24: {  	[tilespmem:s29+$0x120] =	vst v0  }
0x25: {  	[tilespmem:s29+$0x130] =	vst v0  }
0x26: {  	[tilespmem:s29+$0x140] =	vst v0  }
0x27: {  	[tilespmem:s29+$0x150] =	vst v0  }
0x28: {  	[tilespmem:s29+$0x160] =	vst v0  }
0x29: {  	[spmem:s5] =	stream.linear.scatter [tilespmem:s21], [sflag:$0x3], $0x4000, $0x38;
	[tilespmem:$0x1BD00] =	vst v63  }
0x2a: {  	_ =	swait.ge [sflag:s22], $0x4000  }
0x2b: {  	[sflag:s22] =	ssyncset.done $0x0  }
0x2c: {  	[sflag:s22] =	ssyncadd.s32 $0xFFFFC000  }
0x2d: {  	[spmem:s6] =	stream.linear.scatter [tilespmem:s21], [sflag:$0x3], $0x4000, $0x38;
	[tilespmem:$0x1BD00] =	vst v63  }
0x2e: {  	_ =	swait.ge [sflag:s22], $0x4000  }
0x2f: {  	[sflag:s22] =	ssyncset.done $0x0  }
0x30: {  	[sflag:s22] =	ssyncadd.s32 $0xFFFFC000  }
0x31: {  	[spmem:s7] =	stream.linear.scatter [tilespmem:s21], [sflag:$0x3], $0x4000, $0x38;
	[tilespmem:$0x1BD00] =	vst v63  }
0x32: {  	_ =	swait.ge [sflag:s22], $0x4000  }
0x33: {  	[sflag:s22] =	ssyncset.done $0x0  }
0x34: {  	[sflag:s22] =	ssyncadd.s32 $0xFFFFC000  }
0x35: {  	[spmem:s8] =	stream.linear.scatter [tilespmem:s21], [sflag:$0x3], $0x4000, $0x38;
	[tilespmem:$0x1BD00] =	vst v63  }
0x36: {  	_ =	swait.ge [sflag:s22], $0x4000  }
0x37: {  	[sflag:s22] =	ssyncset.done $0x0  }
0x38: {  	[sflag:s22] =	ssyncadd.s32 $0xFFFFC000  }
0x39: {  	[spmem:s9] =	stream.linear.scatter [tilespmem:s21], [sflag:$0x3], $0x3C00, $0x38;
	[tilespmem:$0x1BD00] =	vst v63  }
0x3a: {  	_ =	swait.ge [sflag:s22], $0x3C00  }
0x3b: {  	[sflag:s22] =	ssyncset.done $0x0  }
0x3c: {  	[sflag:s22] =	ssyncadd.s32 $0xFFFFC400  }
0x3d: {  	s1 =	simm.s32 $0x0;
	[bflag:$0x0] =	sbarrier.arrive $0xFFFF  }
0x3e: {  	[tilespmem:s1], [sflag:$0x1] =	stream.linear.gather [hbm4b:s10+s1], $0x80, $0x38;
	[tilespmem:$0x1BD00] =	vst v63  }
0x3f: {  	_ = 	snop  }
0x40: {  	[tilespmem:s21], [sflag:$0x1] =	stream.linear.gather [hbm4b:s11+s1], $0x4000, $0x38;
	[tilespmem:$0x1BD00] =	vst v63  }
0x41: {  	_ = 	snop  }
0x42: {  	[tilespmem:s23], [sflag:$0x2] =	stream.linear.gather [hbm4b:s12+s1], $0x80, $0x38;
	[tilespmem:$0x1BD00] =	vst v63  }
0x43: {  	_ = 	snop  }
0x44: {  	[tilespmem:s24], [sflag:$0x2] =	stream.linear.gather [hbm4b:s13+s1], $0x4000, $0x38;
	[tilespmem:$0x1BD00] =	vst v63  }
0x45: {  	_ =	swait.ge [sflag:s25], $0x80  }
0x46: {  	[sflag:s25] =	ssyncset.done $0x0  }
0x47: {  	[sflag:s25] =	ssyncadd.s32 $0xFFFFFF80  }
0x48: {  	_ =	swait.ge [sflag:s25], $0x4000  }
0x49: {  	[sflag:s25] =	ssyncset.done $0x0  }
0x4a: {  	[sflag:s25] =	ssyncadd.s32 $0xFFFFC000  }
0x4b: {  	[spmem:s3] =	stream.indirect.scatter.add.f32 [tilespmem:s21], [sflag:$0x3], $0x80, s4, s23, $0xb8;
	[tilespmem:$0x1BD00] =	vst v63  }
0x4c: {  	_ =	swait.ge [sflag:s22], $0x4000  }
0x4d: {  	s0 =	sshrl.u32 s19, $0x2;
	[sflag:s22] =	ssyncset.done $0x0  }
0x4e: {  	s1 =	sadd.s32 s2, s0;
	[sflag:s22] =	ssyncadd.s32 $0xFFFFC000  }
0x4f: {  	[tilespmem:s4], [sflag:$0x1] =	stream.linear.gather [hbm4b:s1+s4], $0x80, $0x38;
	[tilespmem:$0x1BD00] =	vst v63  }
0x50: {  	_ = 	snop  }
0x51: {  	[tilespmem:s21], [sflag:$0x1] =	stream.linear.gather [hbm4b:s18+s4], $0x4000, $0x38;
	[tilespmem:$0x1BD00] =	vst v63  }
0x52: {  	_ =	swait.ge [sflag:s26], $0x80  }
0x53: {  	[sflag:s26] =	ssyncset.done $0x0  }
0x54: {  	[sflag:s26] =	ssyncadd.s32 $0xFFFFFF80  }
0x55: {  	_ =	swait.ge [sflag:s26], $0x4000  }
0x56: {  	[sflag:s26] =	ssyncset.done $0x0  }
0x57: {  	[sflag:s26] =	ssyncadd.s32 $0xFFFFC000  }
0x58: {  	[spmem:s3] =	stream.indirect.scatter.add.f32 [tilespmem:s24], [sflag:$0x3], $0x80, s23, s23, $0xb8;
	[tilespmem:$0x1BD00] =	vst v63  }
0x59: {  	s29 =	simm.s32 $0x40;
	_ =	swait.ge [sflag:s22], $0x4000  }
0x5a: {  	s30 =	sadd.s32 $0x1000, s18;
	s31 =	sadd.s32 $0x100, s19;
	[sflag:s22] =	ssyncset.done $0x0  }
0x5b: {  	s0 =	sadd.s32 $0x0, s20;
	s1 =	sadd.s32 $0x800, s18;
	[sflag:s22] =	ssyncadd.s32 $0xFFFFC000  }
0x5c: {  	[tilespmem:s23], [sflag:$0x2] =	stream.linear.gather [hbm4b:s0+s4], $0x80, $0x38;
	[tilespmem:$0x1BD00] =	vst v63  }
.LBB2_4:
0x5d: {  	[tilespmem:s24], [sflag:$0x2] =	stream.linear.gather [hbm4b:s1+s4], $0x4000, $0x38;
	[tilespmem:$0x1BD00] =	vst v63  }
0x5e: {  	s1 =	smov.u32 s29  }
0x5f: {  	p1 =	sne.s32 s29, $0x940;
	s29 =	sadd.s32 $0x40, s29;
	_ =	swait.ge [sflag:s25], $0x80  }
0x60: {  	[sflag:s25] =	ssyncset.done $0x0  }
0x61: {  	[sflag:s25] =	ssyncadd.s32 $0xFFFFFF80  }
0x62: {  	_ =	swait.ge [sflag:s25], $0x4000  }
0x63: {  	[sflag:s25] =	ssyncset.done $0x0  }
0x64: {  	[sflag:s25] =	ssyncadd.s32 $0xFFFFC000  }
0x65: {  	[spmem:s3] =	stream.indirect.scatter.add.f32 [tilespmem:s21], [sflag:$0x3], $0x80, s4, s23, $0xb8;
	[tilespmem:$0x1BD00] =	vst v63  }
0x66: {  	_ =	swait.ge [sflag:s22], $0x4000  }
0x67: {  	s0 =	sshrl.u32 s31, $0x2;
	[sflag:s22] =	ssyncset.done $0x0  }
0x68: {  	s0 =	sadd.s32 s2, s0;
	[sflag:s22] =	ssyncadd.s32 $0xFFFFC000  }
0x69: {  	[tilespmem:s4], [sflag:$0x1] =	stream.linear.gather [hbm4b:s0+s4], $0x80, $0x38;
	[tilespmem:$0x1BD00] =	vst v63  }
0x6a: {  	_ = 	snop  }
0x6b: {  	[tilespmem:s21], [sflag:$0x1] =	stream.linear.gather [hbm4b:s30+s4], $0x4000, $0x38;
	[tilespmem:$0x1BD00] =	vst v63  }
0x6c: {  	_ =	swait.ge [sflag:s26], $0x80  }
0x6d: {  	[sflag:s26] =	ssyncset.done $0x0  }
0x6e: {  	[sflag:s26] =	ssyncadd.s32 $0xFFFFFF80  }
0x6f: {  	_ =	swait.ge [sflag:s26], $0x4000  }
0x70: {  	[sflag:s26] =	ssyncset.done $0x0  }
0x71: {  	[sflag:s26] =	ssyncadd.s32 $0xFFFFC000  }
0x72: {  	[spmem:s3] =	stream.indirect.scatter.add.f32 [tilespmem:s24], [sflag:$0x3], $0x80, s23, s23, $0xb8;
	[tilespmem:$0x1BD00] =	vst v63  }
.Ltmp1:
0x73: {  	_ =	swait.ge [sflag:s22], $0x4000;
	(pc) =	sbr.rel @p1 .LBB2_4-.Ltmp1, $4  }
0x74: {  	[sflag:s22] =	ssyncset.done $0x0  }
0x75: {  	s0 =	sadd.s32 s1, s20;
	[sflag:s22] =	ssyncadd.s32 $0xFFFFC000  }
0x76: {  	[tilespmem:s23], [sflag:$0x2] =	stream.linear.gather [hbm4b:s0+s4], $0x80, $0x38;
	[tilespmem:$0x1BD00] =	vst v63  }
0x77: {  	s31 =	sadd.s32 $0x100, s31;
	s1 =	sadd.s32 $0x800, s30;
	s30 =	sadd.s32 $0x1000, s30  }
0x78: {  	[tilespmem:s24], [sflag:$0x2] =	stream.linear.gather [hbm4b:s1+s4], $0x4000, $0x38;
	[tilespmem:$0x1BD00] =	vst v63  }
0x79: {  	_ =	swait.ge [sflag:s25], $0x80  }
0x7a: {  	[sflag:s25] =	ssyncset.done $0x0  }
0x7b: {  	[sflag:s25] =	ssyncadd.s32 $0xFFFFFF80  }
0x7c: {  	_ =	swait.ge [sflag:s25], $0x4000  }
0x7d: {  	[sflag:s25] =	ssyncset.done $0x0  }
0x7e: {  	[sflag:s25] =	ssyncadd.s32 $0xFFFFC000  }
0x7f: {  	[spmem:s3] =	stream.indirect.scatter.add.f32 [tilespmem:s21], [sflag:$0x3], $0x80, s4, s23, $0xb8;
	[tilespmem:$0x1BD00] =	vst v63  }
0x80: {  	_ =	swait.ge [sflag:s22], $0x4000  }
0x81: {  	[sflag:s22] =	ssyncset.done $0x0  }
0x82: {  	[sflag:s22] =	ssyncadd.s32 $0xFFFFC000  }
0x83: {  	_ =	swait.ge [sflag:s26], $0x80  }
0x84: {  	[sflag:s26] =	ssyncset.done $0x0  }
0x85: {  	[sflag:s26] =	ssyncadd.s32 $0xFFFFFF80  }
0x86: {  	_ =	swait.ge [sflag:s26], $0x4000  }
0x87: {  	[sflag:s26] =	ssyncset.done $0x0  }
0x88: {  	[sflag:s26] =	ssyncadd.s32 $0xFFFFC000  }
0x89: {  	[spmem:s3] =	stream.indirect.scatter.add.f32 [tilespmem:s24], [sflag:$0x3], $0x80, s23, s23, $0xb8;
	[tilespmem:$0x1BD00] =	vst v63  }
0x8a: {  	_ =	swait.ge [sflag:s22], $0x4000  }
0x8b: {  	[sflag:s22] =	ssyncset.done $0x0  }
0x8c: {  	s0 =	simm.s32 @!p0 $0x0;
	s1 =	simm.s32 @!p0 $0x3;
	[sflag:s22] =	ssyncadd.s32 $0xFFFFC000  }
0x8d: {  	[tilespmem:s0], [sflag:$0x3] =	stream.linear.gather @!p0 [hbm4b:s14+s0], $0x80, $0x38;
	[tilespmem:$0x1BD00] =	vst v63  }
0x8e: {  	_ =	swait.ge @!p0 [sflag:s1], $0x80  }
0x8f: {  	[sflag:s1] =	ssyncset.done @!p0 $0x0  }
0x90: {  	s29 =	simm.s32 @!p0 $0x100;
	[sflag:s1] =	ssyncadd.s32 @!p0 $0xFFFFFF80  }
0x91: {  	[tilespmem:s29], [sflag:$0x3] =	stream.linear.gather @!p0 [hbm4b:s15+s0], $0x4000, $0x38;
	[tilespmem:$0x1BD00] =	vst v63  }
0x92: {  	_ =	swait.ge @!p0 [sflag:s1], $0x4000  }
0x93: {  	[sflag:s1] =	ssyncset.done @!p0 $0x0  }
0x94: {  	s30 =	simm.s32 @!p0 $0x80;
	[sflag:s1] =	ssyncadd.s32 @!p0 $0xFFFFC000  }
0x95: {  	[spmem:s3] =	stream.indirect.scatter.add.f32 @!p0 [tilespmem:s29], [sflag:$0x3], $0x80, s0, s30, $0xb8;
	[tilespmem:$0x1BD00] =	vst v63  }
0x96: {  	s31 =	sshrl.u32 s5, $0x3;
	_ =	swait.ge @!p0 [sflag:s1], $0x4000  }
0x97: {  	s28 =	sadd.s32 $0x1, s28;
	s30 =	stileid.u32;
	[sflag:s1] =	ssyncset.done @!p0 $0x0  }
0x98: {  	p1 =	sne.s32 s28, s17;
	s0 =	sshll.u32 s30, $0x6;
	[sflag:s1] =	ssyncadd.s32 @!p0 $0xFFFFC000  }
.Ltmp2:
0x99: {  	s0 =	sor.u32 $0x1C03, s0;
	[bflag:$0x0] =	sbarrier.arrive $0xFFFF;
	(pc) =	sbr.rel @p1 .LBB2_1-.Ltmp2, $4  }
0x9a: {  	[hbm:s16], [sflag:s0] =	dma.local [spmem:s31], $0x2780  }
0x9b: {  	_ =	swait.ge [sflag:s22], $0x2780  }
0x9c: {  	[sflag:s22] =	ssyncset.done $0x0  }
0x9d: {  	[sflag:s22] =	ssyncadd.s32 $0xFFFFD880  }
0x9e: {  	_ =	sfence.sel $0x180000  }
0x9f: {  	[bflag:$0x0] =	sbarrier.arrive $0xFFFF  }
0xa0: {  	_ =	strace $0x90000047  }
0xa1: {  	s0 =	stileid.u32;
	[bflag:$0x2] =	sbarrier.arrive $0xFFFF  }
0xa2: {  	p0 =	sne.s32 s0, $0x0;
	s0 =	rddreg [dreg:$0x3]  }
0xa3: {  	s0 =	sadd.s32 @!p0 $0x100000, s0  }
0xa4: {  	[sflag:s0] =	ssyncadd.tile.s32 @!p0 $0x1;
	_ =	shalt  }
.Lfunc_end2:
_tile_overlayer_lowered:
.L_overlay_start_2:
0xa5: {  	(tag) =	ssettag $0x2  }
0xa6: {  	s0 =	rddreg [dreg:$0x0];
	s2 =	stileid.u32  }
0xa7: {  	s1 =	rddreg [dreg:$0x1];
	p0 =	sne.s32 s2, $0x0  }
0xa8: {  	s3 =	rddreg [dreg:$0x2];
	[bflag:$0x3] =	sbarrier.arrive $0xFFFF;
	s2 =	simm.s32 @!p0 $0x1C03  }
0xa9: {  	[timem:s3], [sflag:s2] =	dma.local @!p0 [hbm:s0], s1  }
0xaa: {  	s0 =	simm.s32 @!p0 $0x3  }
0xab: {  	_ =	swait.ge @!p0 [sflag:s0], s1  }
0xac: {  	s1 =	ssub.s32 @!p0 $0x0, s1;
	[sflag:s0] =	ssyncset.done @!p0 $0x0  }
0xad: {  	[sflag:s0] =	ssyncadd.s32 @!p0 s1  }
0xae: {  	[bflag:$0x3] =	sbarrier.arrive $0xFFFF  }
0xaf: {  	_ =	shalt  }

</sc_bundles>
